<compile_context>
chip_gen: v7x
topology: tpu7x:2x2x1
jax: 0.10.2.dev20260603
libtpu: 0.0.44.dev20260713+nightly
codegen_flags: <defaults>
</compile_context>

<pallas_src>
import functools

import jax
import jax.numpy as jnp
from jax import lax
from jax.experimental import pallas as pl
from jax.experimental.pallas import tpu as pltpu
from jax.experimental.pallas import tpu_sc as plsc

NUM_FIELDS = 26
VOCAB = 100000
EMBED_DIM = 32
BATCH = 16384

NUM_CORES = 2
NUM_SUBCORES = 16
NW = NUM_CORES * NUM_SUBCORES
LANES = 16

NV = 3
TAIL = VOCAB % 128
TAIL_PAD = 128
VMAIN = VOCAB - TAIL
CS = [33408, 33408, 33152]
OFF = [0, 33408, 66816]
PASS_SZ = [33408, 33408, 33152 + TAIL]
CMAX = 33408


def _make_kernel(interpret=False):
    mesh = plsc.VectorSubcoreMesh(
        core_axis_name="c", subcore_axis_name="s",
        num_cores=NUM_CORES, num_subcores=NUM_SUBCORES)

    @functools.partial(
        pl.kernel,
        mesh=mesh,
        out_type=jax.ShapeDtypeStruct((NUM_FIELDS, EMBED_DIM, BATCH),
                                      jnp.float32),
        scratch_types=[
            pltpu.VMEM((CMAX,), jnp.float32),
            pltpu.VMEM((CMAX,), jnp.float32),
            pltpu.VMEM((BATCH,), jnp.int32),
            pltpu.VMEM((BATCH,), jnp.int32),
            pltpu.VMEM((BATCH,), jnp.float32),
            pltpu.SemaphoreType.DMA,
            pltpu.SemaphoreType.DMA,
            pltpu.SemaphoreType.DMA,
            pltpu.SemaphoreType.DMA,
            pltpu.SemaphoreType.DMA,
        ],
        compiler_params=pltpu.CompilerParams(use_tc_tiling_on_sc=True,
                                             needs_layout_passes=False),
        interpret=interpret,
    )
    def gather_kernel(tab_hbm, idx_hbm, tail_hbm, out_hbm, tv0, tv1,
                      xv0, xv1, ov, ts0, ts1, xs0, xs1, ws):
        wid = lax.axis_index("s") * NUM_CORES + lax.axis_index("c")
        tvs, tss = (tv0, tv1), (ts0, ts1)
        xvs, xss = (xv0, xv1), (xs0, xs1)
        iota = lax.iota(jnp.int32, LANES)

        def tab_chunk(f, c):
            return tab_hbm.at[f, wid, pl.ds(OFF[c], CS[c])]

        def tv_slice(slot, c):
            return tvs[slot].at[pl.ds(0, CS[c])]

        def issue_chunk(f, c, slot):
            pltpu.async_copy(tab_chunk(f, c), tv_slice(slot, c),
                             tss[slot])
            if c == NV - 1:
                pltpu.async_copy(tail_hbm.at[f, wid],
                                 tvs[slot].at[pl.ds(CS[c], TAIL_PAD)],
                                 tss[slot])

        def wait_chunk(f, c, slot):
            pltpu.make_async_copy(tab_chunk(f, c), tv_slice(slot, c),
                                  tss[slot]).wait()
            if c == NV - 1:
                pltpu.make_async_copy(tail_hbm.at[f, wid],
                                      tvs[slot].at[pl.ds(CS[c], TAIL_PAD)],
                                      tss[slot]).wait()

        pltpu.async_copy(idx_hbm.at[0], xvs[0], xss[0])
        issue_chunk(0, 0, 0)
        issue_chunk(0, 1, 1)

        def chunk_pass(f, c, slot, xv, ov):
            lo = OFF[c]
            size = PASS_SZ[c]
            tv = tvs[slot]

            @plsc.parallel_loop(0, BATCH // LANES, unroll=16)
            def inner(i):
                idx = xv[pl.ds(i * LANES, LANES)]
                rel = plsc.bitcast(idx - lo, jnp.uint32)
                mask = rel < jnp.uint32(size)
                relc = plsc.bitcast(
                    jnp.minimum(rel, jnp.uint32(size - 1)), jnp.int32)
                vals = plsc.load_gather(tv, [relc])
                pos = iota + i * LANES
                plsc.store_scatter(ov, [pos], vals, mask=mask)

        def do_field(g0, b):
            f = g0 + b
            xv, xs = xvs[b], xss[b]

            pltpu.make_async_copy(idx_hbm.at[f], xv, xs).wait()

            @pl.when(f + 1 < NUM_FIELDS)
            def _():
                pltpu.async_copy(idx_hbm.at[f + 1], xvs[1 - b],
                                 xss[1 - b])

            @pl.when(g0 + b >= 1)
            def _():
                pltpu.make_async_copy(ov, out_hbm.at[f - 1, wid],
                                      ws).wait()

            for c in range(NV):
                slot = (b * NV + c) % 2
                wait_chunk(f, c, slot)
                chunk_pass(f, c, slot, xv, ov)
                c2 = c + 2
                if c2 < NV:
                    issue_chunk(f, c2, slot)
                else:

                    @pl.when(f + 1 < NUM_FIELDS)
                    def _():
                        issue_chunk(f + 1, c2 - NV, slot)

            pltpu.async_copy(ov, out_hbm.at[f, wid], ws)

        @pl.loop(0, NUM_FIELDS, step=2)
        def fields(g0):
            for b in range(2):
                do_field(g0, b)

        pltpu.make_async_copy(ov, out_hbm.at[NUM_FIELDS - 1, wid],
                              ws).wait()

    return gather_kernel


_gather = _make_kernel()


@jax.jit
def kernel(x, tables):
    tables_t = jnp.transpose(tables, (0, 2, 1))
    x_t = jnp.transpose(x.astype(jnp.int32), (1, 0))
    tail_t = jnp.pad(tables_t[:, :, VMAIN:],
                     ((0, 0), (0, 0), (0, TAIL_PAD - TAIL)))
    out_t = _gather(tables_t, x_t, tail_t)
    return jnp.transpose(out_t, (2, 0, 1))

# --- scband reference (transcript-rebuilt; emitter-appended) ---
"""Pipeline reference for scband-embedding-layer-39633958207570 (READ-ONLY COPY).

The authoritative reference and input builder live on the scoring server;
editing this copy changes nothing except your own understanding.
"""

import jax, jax.numpy as jnp
import numpy as np

NUM_FIELDS = 26
VOCAB = 100000  # max_input_feature (99999) + 1
EMBED_DIM = 32
BATCH = 16384


def setup_inputs(seed: int = 0) -> dict:
    key = jax.random.key(seed)
    k_idx, k_tab = jax.random.split(key)
    x = jax.random.randint(k_idx, (BATCH, NUM_FIELDS), 0, VOCAB)
    # One embedding table per feature; all tables share shape so stack into
    # a single [NUM_FIELDS, VOCAB, EMBED_DIM] array (nn.Embedding default init ~ N(0,1)).
    tables = jax.random.normal(k_tab, (NUM_FIELDS, VOCAB, EMBED_DIM), dtype=jnp.float32)
    return {"x": x, "tables": tables}


def reference(x, tables):
    # Faithful translation of EmbeddingLayer.forward:
    # per-feature embedding lookup, unsqueeze(2), concat along dim 2, permute(0,2,1)
    outs = []
    for i in range(NUM_FIELDS):
        outs.append(jnp.take(tables[i], x[:, i], axis=0))  # [B, D]
    out = jnp.stack(outs, axis=2)  # [B, D, F]  (== cat of unsqueeze(2))
    out = jnp.transpose(out, (0, 2, 1))  # [B, F, D]
    return out

if __name__ == "__main__":
    import jax
    _d = setup_inputs()
    print(jax.jit(kernel)(*tuple(_d.values())))

</pallas_src>

<mosaic_0001>
#map = affine_map<(d0, d1) -> (0, 0, 0)>
#map1 = affine_map<(d0, d1) -> (0, 0)>
module attributes {stable_mosaic.version = 14 : i64} {
  func.func @gather_kernel(%arg0: i32, %arg1: i32, %arg2: memref<26x32x100000xf32, #tpu.memory_space<hbm>>, %arg3: memref<26x16384xi32, #tpu.memory_space<hbm>>, %arg4: memref<26x32x128xf32, #tpu.memory_space<hbm>>, %arg5: memref<26x32x16384xf32, #tpu.memory_space<hbm>>, %arg6: memref<33408xf32, #tpu.memory_space<vmem>>, %arg7: memref<33408xf32, #tpu.memory_space<vmem>>, %arg8: memref<16384xi32, #tpu.memory_space<vmem>>, %arg9: memref<16384xi32, #tpu.memory_space<vmem>>, %arg10: memref<16384xf32, #tpu.memory_space<vmem>>, %arg11: memref<!tpu.dma_semaphore, #tpu.memory_space<semaphore_mem>>, %arg12: memref<!tpu.dma_semaphore, #tpu.memory_space<semaphore_mem>>, %arg13: memref<!tpu.dma_semaphore, #tpu.memory_space<semaphore_mem>>, %arg14: memref<!tpu.dma_semaphore, #tpu.memory_space<semaphore_mem>>, %arg15: memref<!tpu.dma_semaphore, #tpu.memory_space<semaphore_mem>>) attributes {dimension_semantics = [#tpu.dimension_semantics<core_parallel>, #tpu.dimension_semantics<subcore_parallel>], iteration_bounds = array<i64: 2, 16>, scalar_prefetch = 0 : i64, scratch_operands = 10 : i64, tpu.core_type = #tpu.core_type<sc_vector_subcore>, window_params = [{transform_indices = #map}, {transform_indices = #map1}, {transform_indices = #map}, {transform_indices = #map}]} {
    %mul3A = arith.constant 2 : i32
    %mul3A_0 = arith.muli %arg1, %mul3A : i32
    %add3A = arith.addi %mul3A_0, %arg0 : i32
    %iota3A = tpu.iota {dimensions = array<i32: 0>} : vector<16xi32>
    %dma_start3A = arith.constant 0 : i32
    %dma_start3A_1 = arith.constant 0 : i32
    %dma_start3A_2 = tpu.memref_slice %arg3[%dma_start3A, %dma_start3A_1] : memref<26x16384xi32, #tpu.memory_space<hbm>> -> memref<1x16384xi32, #tpu.memory_space<hbm>>
    %dma_start3A_3 = tpu.memref_squeeze %dma_start3A_2 : memref<1x16384xi32, #tpu.memory_space<hbm>> -> memref<16384xi32, #tpu.memory_space<hbm>>
    %dma_start3A_4 = arith.constant 0 : i32
    %dma_start3A_5 = tpu.memref_slice %arg3[%dma_start3A, %dma_start3A_4] : memref<26x16384xi32, #tpu.memory_space<hbm>> -> memref<1x16384xi32, #tpu.memory_space<hbm>>
    %dma_start3A_6 = tpu.memref_squeeze %dma_start3A_5 : memref<1x16384xi32, #tpu.memory_space<hbm>> -> memref<16384xi32, #tpu.memory_space<hbm>>
    tpu.enqueue_dma source(%dma_start3A_6 : memref<16384xi32, #tpu.memory_space<hbm>>) target(%arg8 : memref<16384xi32, #tpu.memory_space<vmem>>) target_semaphore(%arg13 : memref<!tpu.dma_semaphore, #tpu.memory_space<semaphore_mem>>)
    %dma_start3A_7 = arith.constant 0 : i32
    %dma_start3A_8 = arith.constant 0 : i32
    %dma_start3A_9 = tpu.memref_slice %arg6[%dma_start3A_8] : memref<33408xf32, #tpu.memory_space<vmem>> -> memref<33408xf32, #tpu.memory_space<vmem>>
    %dma_start3A_10 = arith.constant 0 : i32
    %dma_start3A_11 = tpu.memref_slice %arg2[%dma_start3A_7, %add3A, %dma_start3A_10] : memref<26x32x100000xf32, #tpu.memory_space<hbm>> -> memref<1x1x33408xf32, #tpu.memory_space<hbm>>
    %dma_start3A_12 = tpu.memref_squeeze %dma_start3A_11 : memref<1x1x33408xf32, #tpu.memory_space<hbm>> -> memref<33408xf32, #tpu.memory_space<hbm>>
    %dma_start3A_13 = arith.constant 0 : i32
    %dma_start3A_14 = tpu.memref_slice %arg6[%dma_start3A_13] : memref<33408xf32, #tpu.memory_space<vmem>> -> memref<33408xf32, #tpu.memory_space<vmem>>
    %dma_start3A_15 = arith.constant 0 : i32
    %dma_start3A_16 = tpu.memref_slice %arg2[%dma_start3A_7, %add3A, %dma_start3A_15] : memref<26x32x100000xf32, #tpu.memory_space<hbm>> -> memref<1x1x33408xf32, #tpu.memory_space<hbm>>
    %dma_start3A_17 = tpu.memref_squeeze %dma_start3A_16 : memref<1x1x33408xf32, #tpu.memory_space<hbm>> -> memref<33408xf32, #tpu.memory_space<hbm>>
    tpu.enqueue_dma source(%dma_start3A_17 : memref<33408xf32, #tpu.memory_space<hbm>>) target(%dma_start3A_14 : memref<33408xf32, #tpu.memory_space<vmem>>) target_semaphore(%arg11 : memref<!tpu.dma_semaphore, #tpu.memory_space<semaphore_mem>>)
    %dma_start3A_18 = arith.constant 0 : i32
    %dma_start3A_19 = arith.constant 0 : i32
    %dma_start3A_20 = tpu.memref_slice %arg7[%dma_start3A_19] : memref<33408xf32, #tpu.memory_space<vmem>> -> memref<33408xf32, #tpu.memory_space<vmem>>
    %dma_start3A_21 = arith.constant 33408 : i32
    %dma_start3A_22 = tpu.memref_slice %arg2[%dma_start3A_18, %add3A, %dma_start3A_21] : memref<26x32x100000xf32, #tpu.memory_space<hbm>> -> memref<1x1x33408xf32, #tpu.memory_space<hbm>>
    %dma_start3A_23 = tpu.memref_squeeze %dma_start3A_22 : memref<1x1x33408xf32, #tpu.memory_space<hbm>> -> memref<33408xf32, #tpu.memory_space<hbm>>
    %dma_start3A_24 = arith.constant 0 : i32
    %dma_start3A_25 = tpu.memref_slice %arg7[%dma_start3A_24] : memref<33408xf32, #tpu.memory_space<vmem>> -> memref<33408xf32, #tpu.memory_space<vmem>>
    %dma_start3A_26 = arith.constant 33408 : i32
    %dma_start3A_27 = tpu.memref_slice %arg2[%dma_start3A_18, %add3A, %dma_start3A_26] : memref<26x32x100000xf32, #tpu.memory_space<hbm>> -> memref<1x1x33408xf32, #tpu.memory_space<hbm>>
    %dma_start3A_28 = tpu.memref_squeeze %dma_start3A_27 : memref<1x1x33408xf32, #tpu.memory_space<hbm>> -> memref<33408xf32, #tpu.memory_space<hbm>>
    tpu.enqueue_dma source(%dma_start3A_28 : memref<33408xf32, #tpu.memory_space<hbm>>) target(%dma_start3A_25 : memref<33408xf32, #tpu.memory_space<vmem>>) target_semaphore(%arg12 : memref<!tpu.dma_semaphore, #tpu.memory_space<semaphore_mem>>)
    %scan3A = arith.constant 0 : i32
    %scan3A_29 = arith.constant 13 : i32
    %scan3A_30 = arith.addi %scan3A, %scan3A_29 : i32
    %scan3A_31 = arith.constant 1 : i32
    scf.for %scan3A_39 = %scan3A to %scan3A_30 step %scan3A_31  : i32 {
      %mul3A_40 = arith.constant 2 : i32
      %mul3A_41 = arith.muli %scan3A_39, %mul3A_40 : i32
      %add3A_42 = arith.constant 0 : i32
      %add3A_43 = arith.addi %add3A_42, %mul3A_41 : i32
      %add3A_44 = arith.constant 0 : i32
      %add3A_45 = arith.addi %add3A_43, %add3A_44 : i32
      %dma_wait3A_46 = arith.constant 0 : i32
      %dma_wait3A_47 = tpu.memref_slice %arg3[%add3A_45, %dma_wait3A_46] : memref<26x16384xi32, #tpu.memory_space<hbm>> -> memref<1x16384xi32, #tpu.memory_space<hbm>>
      %dma_wait3A_48 = tpu.memref_squeeze %dma_wait3A_47 : memref<1x16384xi32, #tpu.memory_space<hbm>> -> memref<16384xi32, #tpu.memory_space<hbm>>
      %dma_wait3A_49 = arith.constant 0 : i32
      %dma_wait3A_50 = tpu.memref_slice %arg3[%add3A_45, %dma_wait3A_49] : memref<26x16384xi32, #tpu.memory_space<hbm>> -> memref<1x16384xi32, #tpu.memory_space<hbm>>
      %dma_wait3A_51 = tpu.memref_squeeze %dma_wait3A_50 : memref<1x16384xi32, #tpu.memory_space<hbm>> -> memref<16384xi32, #tpu.memory_space<hbm>>
      tpu.wait_dma2 semaphore(%arg13 : memref<!tpu.dma_semaphore, #tpu.memory_space<semaphore_mem>>) src(%dma_wait3A_51 : memref<16384xi32, #tpu.memory_space<hbm>>) dst(%arg8 : memref<16384xi32, #tpu.memory_space<vmem>>)
      %add3A_52 = arith.constant 1 : i32
      %add3A_53 = arith.addi %add3A_45, %add3A_52 : i32
      %lt3A = arith.constant 26 : i32
      %lt3A_54 = arith.cmpi slt, %add3A_53, %lt3A : i32
      %convert_element_type3A = arith.extui %lt3A_54 : i1 to i32
      %cond3A = arith.constant 0 : i32
      %cond3A_55 = arith.cmpi ne, %convert_element_type3A, %cond3A : i32
      scf.if %cond3A_55 {
        %add3A_261 = arith.constant 1 : i32
        %add3A_262 = arith.addi %add3A_45, %add3A_261 : i32
        %dma_start3A_263 = arith.constant 0 : i32
        %dma_start3A_264 = tpu.memref_slice %arg3[%add3A_262, %dma_start3A_263] : memref<26x16384xi32, #tpu.memory_space<hbm>> -> memref<1x16384xi32, #tpu.memory_space<hbm>>
        %dma_start3A_265 = tpu.memref_squeeze %dma_start3A_264 : memref<1x16384xi32, #tpu.memory_space<hbm>> -> memref<16384xi32, #tpu.memory_space<hbm>>
        %dma_start3A_266 = arith.constant 0 : i32
        %dma_start3A_267 = tpu.memref_slice %arg3[%add3A_262, %dma_start3A_266] : memref<26x16384xi32, #tpu.memory_space<hbm>> -> memref<1x16384xi32, #tpu.memory_space<hbm>>
        %dma_start3A_268 = tpu.memref_squeeze %dma_start3A_267 : memref<1x16384xi32, #tpu.memory_space<hbm>> -> memref<16384xi32, #tpu.memory_space<hbm>>
        tpu.enqueue_dma source(%dma_start3A_268 : memref<16384xi32, #tpu.memory_space<hbm>>) target(%arg9 : memref<16384xi32, #tpu.memory_space<vmem>>) target_semaphore(%arg14 : memref<!tpu.dma_semaphore, #tpu.memory_space<semaphore_mem>>)
      } else {
      }
      %add3A_56 = arith.constant 0 : i32
      %add3A_57 = arith.addi %add3A_43, %add3A_56 : i32
      %ge3A = arith.constant 1 : i32
      %ge3A_58 = arith.cmpi sge, %add3A_57, %ge3A : i32
      %convert_element_type3A_59 = arith.extui %ge3A_58 : i1 to i32
      %cond3A_60 = arith.constant 0 : i32
      %cond3A_61 = arith.cmpi ne, %convert_element_type3A_59, %cond3A_60 : i32
      scf.if %cond3A_61 {
        %sub3A = arith.constant 1 : i32
        %sub3A_261 = arith.subi %add3A_45, %sub3A : i32
        %dma_wait3A_262 = arith.constant 0 : i32
        %dma_wait3A_263 = tpu.memref_slice %arg5[%sub3A_261, %add3A, %dma_wait3A_262] : memref<26x32x16384xf32, #tpu.memory_space<hbm>> -> memref<1x1x16384xf32, #tpu.memory_space<hbm>>
        %dma_wait3A_264 = tpu.memref_squeeze %dma_wait3A_263 : memref<1x1x16384xf32, #tpu.memory_space<hbm>> -> memref<16384xf32, #tpu.memory_space<hbm>>
        %dma_wait3A_265 = arith.constant 0 : i32
        %dma_wait3A_266 = tpu.memref_slice %arg5[%sub3A_261, %add3A, %dma_wait3A_265] : memref<26x32x16384xf32, #tpu.memory_space<hbm>> -> memref<1x1x16384xf32, #tpu.memory_space<hbm>>
        %dma_wait3A_267 = tpu.memref_squeeze %dma_wait3A_266 : memref<1x1x16384xf32, #tpu.memory_space<hbm>> -> memref<16384xf32, #tpu.memory_space<hbm>>
        tpu.wait_dma2 semaphore(%arg15 : memref<!tpu.dma_semaphore, #tpu.memory_space<semaphore_mem>>) src(%arg10 : memref<16384xf32, #tpu.memory_space<vmem>>) dst(%dma_wait3A_267 : memref<16384xf32, #tpu.memory_space<hbm>>)
      } else {
      }
      %dma_wait3A_62 = arith.constant 0 : i32
      %dma_wait3A_63 = tpu.memref_slice %arg6[%dma_wait3A_62] : memref<33408xf32, #tpu.memory_space<vmem>> -> memref<33408xf32, #tpu.memory_space<vmem>>
      %dma_wait3A_64 = arith.constant 0 : i32
      %dma_wait3A_65 = tpu.memref_slice %arg2[%add3A_45, %add3A, %dma_wait3A_64] : memref<26x32x100000xf32, #tpu.memory_space<hbm>> -> memref<1x1x33408xf32, #tpu.memory_space<hbm>>
      %dma_wait3A_66 = tpu.memref_squeeze %dma_wait3A_65 : memref<1x1x33408xf32, #tpu.memory_space<hbm>> -> memref<33408xf32, #tpu.memory_space<hbm>>
      %dma_wait3A_67 = arith.constant 0 : i32
      %dma_wait3A_68 = tpu.memref_slice %arg6[%dma_wait3A_67] : memref<33408xf32, #tpu.memory_space<vmem>> -> memref<33408xf32, #tpu.memory_space<vmem>>
      %dma_wait3A_69 = arith.constant 0 : i32
      %dma_wait3A_70 = tpu.memref_slice %arg2[%add3A_45, %add3A, %dma_wait3A_69] : memref<26x32x100000xf32, #tpu.memory_space<hbm>> -> memref<1x1x33408xf32, #tpu.memory_space<hbm>>
      %dma_wait3A_71 = tpu.memref_squeeze %dma_wait3A_70 : memref<1x1x33408xf32, #tpu.memory_space<hbm>> -> memref<33408xf32, #tpu.memory_space<hbm>>
      tpu.wait_dma2 semaphore(%arg11 : memref<!tpu.dma_semaphore, #tpu.memory_space<semaphore_mem>>) src(%dma_wait3A_71 : memref<33408xf32, #tpu.memory_space<hbm>>) dst(%dma_wait3A_68 : memref<33408xf32, #tpu.memory_space<vmem>>)
      %parallel_loop3A = arith.constant 0 : i32
      %parallel_loop3A_72 = arith.constant 1024 : i32
      %parallel_loop3A_73 = arith.constant 1 : i32
      scf.for %parallel_loop3A_261 = %parallel_loop3A to %parallel_loop3A_72 step %parallel_loop3A_73  : i32 {
        %parallel_loop3A_262 = arith.constant 16 : i32
        %parallel_loop3A_263 = arith.muli %parallel_loop3A_261, %parallel_loop3A_262 : i32
        %parallel_loop3A_264 = arith.index_cast %parallel_loop3A_263 : i32 to index
        %parallel_loop3A_265 = tpu.vector_load %arg8[%parallel_loop3A_264] {strides = array<i32>} : memref<16384xi32, #tpu.memory_space<vmem>>, vector<16xi32>,
        %parallel_loop3A_266 = arith.constant 0 : i32
        %parallel_loop3A_267 = vector.broadcast %parallel_loop3A_266 : i32 to vector<16xi32>
        %parallel_loop3A_268 = arith.subi %parallel_loop3A_265, %parallel_loop3A_267 : vector<16xi32>
        %parallel_loop3A_269 = vector.bitcast %parallel_loop3A_268 : vector<16xi32> to vector<16xi32>
        %parallel_loop3A_270 = arith.constant 33408 : i32
        %parallel_loop3A_271 = vector.broadcast %parallel_loop3A_270 : i32 to vector<16xi32>
        %parallel_loop3A_272 = arith.cmpi ult, %parallel_loop3A_269, %parallel_loop3A_271 : vector<16xi32>
        %parallel_loop3A_273 = arith.constant 33407 : i32
        %parallel_loop3A_274 = vector.broadcast %parallel_loop3A_273 : i32 to vector<16xi32>
        %parallel_loop3A_275 = arith.minui %parallel_loop3A_269, %parallel_loop3A_274 : vector<16xi32>
        %parallel_loop3A_276 = vector.bitcast %parallel_loop3A_275 : vector<16xi32> to vector<16xi32>
        %parallel_loop3A_277 = tpu.vector_load_idx %arg6[%parallel_loop3A_276] : memref<33408xf32, #tpu.memory_space<vmem>>[vector<16xi32>], vector<16xf32>,
        %parallel_loop3A_278 = arith.constant 16 : i32
        %parallel_loop3A_279 = arith.muli %parallel_loop3A_261, %parallel_loop3A_278 : i32
        %parallel_loop3A_280 = vector.broadcast %parallel_loop3A_279 : i32 to vector<16xi32>
        %parallel_loop3A_281 = arith.addi %iota3A, %parallel_loop3A_280 : vector<16xi32>
        tpu.vector_store_idx %arg10[%parallel_loop3A_281], %parallel_loop3A_277 masked %parallel_loop3A_272 : memref<16384xf32, #tpu.memory_space<vmem>>[vector<16xi32>], vector<16xf32>, vector<16xi1>
      } {sc.loop_unroll_factor = 16 : i64, sc.parallel_access}
      %dma_start3A_74 = arith.constant 0 : i32
      %dma_start3A_75 = tpu.memref_slice %arg6[%dma_start3A_74] : memref<33408xf32, #tpu.memory_space<vmem>> -> memref<33152xf32, #tpu.memory_space<vmem>>
      %dma_start3A_76 = arith.constant 66816 : i32
      %dma_start3A_77 = tpu.memref_slice %arg2[%add3A_45, %add3A, %dma_start3A_76] : memref<26x32x100000xf32, #tpu.memory_space<hbm>> -> memref<1x1x33152xf32, #tpu.memory_space<hbm>>
      %dma_start3A_78 = tpu.memref_squeeze %dma_start3A_77 : memref<1x1x33152xf32, #tpu.memory_space<hbm>> -> memref<33152xf32, #tpu.memory_space<hbm>>
      %dma_start3A_79 = arith.constant 0 : i32
      %dma_start3A_80 = tpu.memref_slice %arg6[%dma_start3A_79] : memref<33408xf32, #tpu.memory_space<vmem>> -> memref<33152xf32, #tpu.memory_space<vmem>>
      %dma_start3A_81 = arith.constant 66816 : i32
      %dma_start3A_82 = tpu.memref_slice %arg2[%add3A_45, %add3A, %dma_start3A_81] : memref<26x32x100000xf32, #tpu.memory_space<hbm>> -> memref<1x1x33152xf32, #tpu.memory_space<hbm>>
      %dma_start3A_83 = tpu.memref_squeeze %dma_start3A_82 : memref<1x1x33152xf32, #tpu.memory_space<hbm>> -> memref<33152xf32, #tpu.memory_space<hbm>>
      tpu.enqueue_dma source(%dma_start3A_83 : memref<33152xf32, #tpu.memory_space<hbm>>) target(%dma_start3A_80 : memref<33152xf32, #tpu.memory_space<vmem>>) target_semaphore(%arg11 : memref<!tpu.dma_semaphore, #tpu.memory_space<semaphore_mem>>)
      %dma_start3A_84 = arith.constant 33152 : i32
      %dma_start3A_85 = tpu.memref_slice %arg6[%dma_start3A_84] : memref<33408xf32, #tpu.memory_space<vmem>> -> memref<128xf32, #tpu.memory_space<vmem>>
      %dma_start3A_86 = arith.constant 0 : i32
      %dma_start3A_87 = tpu.memref_slice %arg4[%add3A_45, %add3A, %dma_start3A_86] : memref<26x32x128xf32, #tpu.memory_space<hbm>> -> memref<1x1x128xf32, #tpu.memory_space<hbm>>
      %dma_start3A_88 = tpu.memref_squeeze %dma_start3A_87 : memref<1x1x128xf32, #tpu.memory_space<hbm>> -> memref<128xf32, #tpu.memory_space<hbm>>
      %dma_start3A_89 = arith.constant 33152 : i32
      %dma_start3A_90 = tpu.memref_slice %arg6[%dma_start3A_89] : memref<33408xf32, #tpu.memory_space<vmem>> -> memref<128xf32, #tpu.memory_space<vmem>>
      %dma_start3A_91 = arith.constant 0 : i32
      %dma_start3A_92 = tpu.memref_slice %arg4[%add3A_45, %add3A, %dma_start3A_91] : memref<26x32x128xf32, #tpu.memory_space<hbm>> -> memref<1x1x128xf32, #tpu.memory_space<hbm>>
      %dma_start3A_93 = tpu.memref_squeeze %dma_start3A_92 : memref<1x1x128xf32, #tpu.memory_space<hbm>> -> memref<128xf32, #tpu.memory_space<hbm>>
      tpu.enqueue_dma source(%dma_start3A_93 : memref<128xf32, #tpu.memory_space<hbm>>) target(%dma_start3A_90 : memref<128xf32, #tpu.memory_space<vmem>>) target_semaphore(%arg11 : memref<!tpu.dma_semaphore, #tpu.memory_space<semaphore_mem>>)
      %dma_wait3A_94 = arith.constant 0 : i32
      %dma_wait3A_95 = tpu.memref_slice %arg7[%dma_wait3A_94] : memref<33408xf32, #tpu.memory_space<vmem>> -> memref<33408xf32, #tpu.memory_space<vmem>>
      %dma_wait3A_96 = arith.constant 33408 : i32
      %dma_wait3A_97 = tpu.memref_slice %arg2[%add3A_45, %add3A, %dma_wait3A_96] : memref<26x32x100000xf32, #tpu.memory_space<hbm>> -> memref<1x1x33408xf32, #tpu.memory_space<hbm>>
      %dma_wait3A_98 = tpu.memref_squeeze %dma_wait3A_97 : memref<1x1x33408xf32, #tpu.memory_space<hbm>> -> memref<33408xf32, #tpu.memory_space<hbm>>
      %dma_wait3A_99 = arith.constant 0 : i32
      %dma_wait3A_100 = tpu.memref_slice %arg7[%dma_wait3A_99] : memref<33408xf32, #tpu.memory_space<vmem>> -> memref<33408xf32, #tpu.memory_space<vmem>>
      %dma_wait3A_101 = arith.constant 33408 : i32
      %dma_wait3A_102 = tpu.memref_slice %arg2[%add3A_45, %add3A, %dma_wait3A_101] : memref<26x32x100000xf32, #tpu.memory_space<hbm>> -> memref<1x1x33408xf32, #tpu.memory_space<hbm>>
      %dma_wait3A_103 = tpu.memref_squeeze %dma_wait3A_102 : memref<1x1x33408xf32, #tpu.memory_space<hbm>> -> memref<33408xf32, #tpu.memory_space<hbm>>
      tpu.wait_dma2 semaphore(%arg12 : memref<!tpu.dma_semaphore, #tpu.memory_space<semaphore_mem>>) src(%dma_wait3A_103 : memref<33408xf32, #tpu.memory_space<hbm>>) dst(%dma_wait3A_100 : memref<33408xf32, #tpu.memory_space<vmem>>)
      %parallel_loop3A_104 = arith.constant 0 : i32
      %parallel_loop3A_105 = arith.constant 1024 : i32
      %parallel_loop3A_106 = arith.constant 1 : i32
      scf.for %parallel_loop3A_261 = %parallel_loop3A_104 to %parallel_loop3A_105 step %parallel_loop3A_106  : i32 {
        %parallel_loop3A_262 = arith.constant 16 : i32
        %parallel_loop3A_263 = arith.muli %parallel_loop3A_261, %parallel_loop3A_262 : i32
        %parallel_loop3A_264 = arith.index_cast %parallel_loop3A_263 : i32 to index
        %parallel_loop3A_265 = tpu.vector_load %arg8[%parallel_loop3A_264] {strides = array<i32>} : memref<16384xi32, #tpu.memory_space<vmem>>, vector<16xi32>,
        %parallel_loop3A_266 = arith.constant 33408 : i32
        %parallel_loop3A_267 = vector.broadcast %parallel_loop3A_266 : i32 to vector<16xi32>
        %parallel_loop3A_268 = arith.subi %parallel_loop3A_265, %parallel_loop3A_267 : vector<16xi32>
        %parallel_loop3A_269 = vector.bitcast %parallel_loop3A_268 : vector<16xi32> to vector<16xi32>
        %parallel_loop3A_270 = arith.constant 33408 : i32
        %parallel_loop3A_271 = vector.broadcast %parallel_loop3A_270 : i32 to vector<16xi32>
        %parallel_loop3A_272 = arith.cmpi ult, %parallel_loop3A_269, %parallel_loop3A_271 : vector<16xi32>
        %parallel_loop3A_273 = arith.constant 33407 : i32
        %parallel_loop3A_274 = vector.broadcast %parallel_loop3A_273 : i32 to vector<16xi32>
        %parallel_loop3A_275 = arith.minui %parallel_loop3A_269, %parallel_loop3A_274 : vector<16xi32>
        %parallel_loop3A_276 = vector.bitcast %parallel_loop3A_275 : vector<16xi32> to vector<16xi32>
        %parallel_loop3A_277 = tpu.vector_load_idx %arg7[%parallel_loop3A_276] : memref<33408xf32, #tpu.memory_space<vmem>>[vector<16xi32>], vector<16xf32>,
        %parallel_loop3A_278 = arith.constant 16 : i32
        %parallel_loop3A_279 = arith.muli %parallel_loop3A_261, %parallel_loop3A_278 : i32
        %parallel_loop3A_280 = vector.broadcast %parallel_loop3A_279 : i32 to vector<16xi32>
        %parallel_loop3A_281 = arith.addi %iota3A, %parallel_loop3A_280 : vector<16xi32>
        tpu.vector_store_idx %arg10[%parallel_loop3A_281], %parallel_loop3A_277 masked %parallel_loop3A_272 : memref<16384xf32, #tpu.memory_space<vmem>>[vector<16xi32>], vector<16xf32>, vector<16xi1>
      } {sc.loop_unroll_factor = 16 : i64, sc.parallel_access}
      %add3A_107 = arith.constant 1 : i32
      %add3A_108 = arith.addi %add3A_45, %add3A_107 : i32
      %lt3A_109 = arith.constant 26 : i32
      %lt3A_110 = arith.cmpi slt, %add3A_108, %lt3A_109 : i32
      %convert_element_type3A_111 = arith.extui %lt3A_110 : i1 to i32
      %cond3A_112 = arith.constant 0 : i32
      %cond3A_113 = arith.cmpi ne, %convert_element_type3A_111, %cond3A_112 : i32
      scf.if %cond3A_113 {
        %add3A_261 = arith.constant 1 : i32
        %add3A_262 = arith.addi %add3A_45, %add3A_261 : i32
        %dma_start3A_263 = arith.constant 0 : i32
        %dma_start3A_264 = tpu.memref_slice %arg7[%dma_start3A_263] : memref<33408xf32, #tpu.memory_space<vmem>> -> memref<33408xf32, #tpu.memory_space<vmem>>
        %dma_start3A_265 = arith.constant 0 : i32
        %dma_start3A_266 = tpu.memref_slice %arg2[%add3A_262, %add3A, %dma_start3A_265] : memref<26x32x100000xf32, #tpu.memory_space<hbm>> -> memref<1x1x33408xf32, #tpu.memory_space<hbm>>
        %dma_start3A_267 = tpu.memref_squeeze %dma_start3A_266 : memref<1x1x33408xf32, #tpu.memory_space<hbm>> -> memref<33408xf32, #tpu.memory_space<hbm>>
        %dma_start3A_268 = arith.constant 0 : i32
        %dma_start3A_269 = tpu.memref_slice %arg7[%dma_start3A_268] : memref<33408xf32, #tpu.memory_space<vmem>> -> memref<33408xf32, #tpu.memory_space<vmem>>
        %dma_start3A_270 = arith.constant 0 : i32
        %dma_start3A_271 = tpu.memref_slice %arg2[%add3A_262, %add3A, %dma_start3A_270] : memref<26x32x100000xf32, #tpu.memory_space<hbm>> -> memref<1x1x33408xf32, #tpu.memory_space<hbm>>
        %dma_start3A_272 = tpu.memref_squeeze %dma_start3A_271 : memref<1x1x33408xf32, #tpu.memory_space<hbm>> -> memref<33408xf32, #tpu.memory_space<hbm>>
        tpu.enqueue_dma source(%dma_start3A_272 : memref<33408xf32, #tpu.memory_space<hbm>>) target(%dma_start3A_269 : memref<33408xf32, #tpu.memory_space<vmem>>) target_semaphore(%arg12 : memref<!tpu.dma_semaphore, #tpu.memory_space<semaphore_mem>>)
      } else {
      }
      %dma_wait3A_114 = arith.constant 0 : i32
      %dma_wait3A_115 = tpu.memref_slice %arg6[%dma_wait3A_114] : memref<33408xf32, #tpu.memory_space<vmem>> -> memref<33152xf32, #tpu.memory_space<vmem>>
      %dma_wait3A_116 = arith.constant 66816 : i32
      %dma_wait3A_117 = tpu.memref_slice %arg2[%add3A_45, %add3A, %dma_wait3A_116] : memref<26x32x100000xf32, #tpu.memory_space<hbm>> -> memref<1x1x33152xf32, #tpu.memory_space<hbm>>
      %dma_wait3A_118 = tpu.memref_squeeze %dma_wait3A_117 : memref<1x1x33152xf32, #tpu.memory_space<hbm>> -> memref<33152xf32, #tpu.memory_space<hbm>>
      %dma_wait3A_119 = arith.constant 0 : i32
      %dma_wait3A_120 = tpu.memref_slice %arg6[%dma_wait3A_119] : memref<33408xf32, #tpu.memory_space<vmem>> -> memref<33152xf32, #tpu.memory_space<vmem>>
      %dma_wait3A_121 = arith.constant 66816 : i32
      %dma_wait3A_122 = tpu.memref_slice %arg2[%add3A_45, %add3A, %dma_wait3A_121] : memref<26x32x100000xf32, #tpu.memory_space<hbm>> -> memref<1x1x33152xf32, #tpu.memory_space<hbm>>
      %dma_wait3A_123 = tpu.memref_squeeze %dma_wait3A_122 : memref<1x1x33152xf32, #tpu.memory_space<hbm>> -> memref<33152xf32, #tpu.memory_space<hbm>>
      tpu.wait_dma2 semaphore(%arg11 : memref<!tpu.dma_semaphore, #tpu.memory_space<semaphore_mem>>) src(%dma_wait3A_123 : memref<33152xf32, #tpu.memory_space<hbm>>) dst(%dma_wait3A_120 : memref<33152xf32, #tpu.memory_space<vmem>>)
      %dma_wait3A_124 = arith.constant 33152 : i32
      %dma_wait3A_125 = tpu.memref_slice %arg6[%dma_wait3A_124] : memref<33408xf32, #tpu.memory_space<vmem>> -> memref<128xf32, #tpu.memory_space<vmem>>
      %dma_wait3A_126 = arith.constant 0 : i32
      %dma_wait3A_127 = tpu.memref_slice %arg4[%add3A_45, %add3A, %dma_wait3A_126] : memref<26x32x128xf32, #tpu.memory_space<hbm>> -> memref<1x1x128xf32, #tpu.memory_space<hbm>>
      %dma_wait3A_128 = tpu.memref_squeeze %dma_wait3A_127 : memref<1x1x128xf32, #tpu.memory_space<hbm>> -> memref<128xf32, #tpu.memory_space<hbm>>
      %dma_wait3A_129 = arith.constant 33152 : i32
      %dma_wait3A_130 = tpu.memref_slice %arg6[%dma_wait3A_129] : memref<33408xf32, #tpu.memory_space<vmem>> -> memref<128xf32, #tpu.memory_space<vmem>>
      %dma_wait3A_131 = arith.constant 0 : i32
      %dma_wait3A_132 = tpu.memref_slice %arg4[%add3A_45, %add3A, %dma_wait3A_131] : memref<26x32x128xf32, #tpu.memory_space<hbm>> -> memref<1x1x128xf32, #tpu.memory_space<hbm>>
      %dma_wait3A_133 = tpu.memref_squeeze %dma_wait3A_132 : memref<1x1x128xf32, #tpu.memory_space<hbm>> -> memref<128xf32, #tpu.memory_space<hbm>>
      tpu.wait_dma2 semaphore(%arg11 : memref<!tpu.dma_semaphore, #tpu.memory_space<semaphore_mem>>) src(%dma_wait3A_133 : memref<128xf32, #tpu.memory_space<hbm>>) dst(%dma_wait3A_130 : memref<128xf32, #tpu.memory_space<vmem>>)
      %parallel_loop3A_134 = arith.constant 0 : i32
      %parallel_loop3A_135 = arith.constant 1024 : i32
      %parallel_loop3A_136 = arith.constant 1 : i32
      scf.for %parallel_loop3A_261 = %parallel_loop3A_134 to %parallel_loop3A_135 step %parallel_loop3A_136  : i32 {
        %parallel_loop3A_262 = arith.constant 16 : i32
        %parallel_loop3A_263 = arith.muli %parallel_loop3A_261, %parallel_loop3A_262 : i32
        %parallel_loop3A_264 = arith.index_cast %parallel_loop3A_263 : i32 to index
        %parallel_loop3A_265 = tpu.vector_load %arg8[%parallel_loop3A_264] {strides = array<i32>} : memref<16384xi32, #tpu.memory_space<vmem>>, vector<16xi32>,
        %parallel_loop3A_266 = arith.constant 66816 : i32
        %parallel_loop3A_267 = vector.broadcast %parallel_loop3A_266 : i32 to vector<16xi32>
        %parallel_loop3A_268 = arith.subi %parallel_loop3A_265, %parallel_loop3A_267 : vector<16xi32>
        %parallel_loop3A_269 = vector.bitcast %parallel_loop3A_268 : vector<16xi32> to vector<16xi32>
        %parallel_loop3A_270 = arith.constant 33184 : i32
        %parallel_loop3A_271 = vector.broadcast %parallel_loop3A_270 : i32 to vector<16xi32>
        %parallel_loop3A_272 = arith.cmpi ult, %parallel_loop3A_269, %parallel_loop3A_271 : vector<16xi32>
        %parallel_loop3A_273 = arith.constant 33183 : i32
        %parallel_loop3A_274 = vector.broadcast %parallel_loop3A_273 : i32 to vector<16xi32>
        %parallel_loop3A_275 = arith.minui %parallel_loop3A_269, %parallel_loop3A_274 : vector<16xi32>
        %parallel_loop3A_276 = vector.bitcast %parallel_loop3A_275 : vector<16xi32> to vector<16xi32>
        %parallel_loop3A_277 = tpu.vector_load_idx %arg6[%parallel_loop3A_276] : memref<33408xf32, #tpu.memory_space<vmem>>[vector<16xi32>], vector<16xf32>,
        %parallel_loop3A_278 = arith.constant 16 : i32
        %parallel_loop3A_279 = arith.muli %parallel_loop3A_261, %parallel_loop3A_278 : i32
        %parallel_loop3A_280 = vector.broadcast %parallel_loop3A_279 : i32 to vector<16xi32>
        %parallel_loop3A_281 = arith.addi %iota3A, %parallel_loop3A_280 : vector<16xi32>
        tpu.vector_store_idx %arg10[%parallel_loop3A_281], %parallel_loop3A_277 masked %parallel_loop3A_272 : memref<16384xf32, #tpu.memory_space<vmem>>[vector<16xi32>], vector<16xf32>, vector<16xi1>
      } {sc.loop_unroll_factor = 16 : i64, sc.parallel_access}
      %add3A_137 = arith.constant 1 : i32
      %add3A_138 = arith.addi %add3A_45, %add3A_137 : i32
      %lt3A_139 = arith.constant 26 : i32
      %lt3A_140 = arith.cmpi slt, %add3A_138, %lt3A_139 : i32
      %convert_element_type3A_141 = arith.extui %lt3A_140 : i1 to i32
      %cond3A_142 = arith.constant 0 : i32
      %cond3A_143 = arith.cmpi ne, %convert_element_type3A_141, %cond3A_142 : i32
      scf.if %cond3A_143 {
        %add3A_261 = arith.constant 1 : i32
        %add3A_262 = arith.addi %add3A_45, %add3A_261 : i32
        %dma_start3A_263 = arith.constant 0 : i32
        %dma_start3A_264 = tpu.memref_slice %arg6[%dma_start3A_263] : memref<33408xf32, #tpu.memory_space<vmem>> -> memref<33408xf32, #tpu.memory_space<vmem>>
        %dma_start3A_265 = arith.constant 33408 : i32
        %dma_start3A_266 = tpu.memref_slice %arg2[%add3A_262, %add3A, %dma_start3A_265] : memref<26x32x100000xf32, #tpu.memory_space<hbm>> -> memref<1x1x33408xf32, #tpu.memory_space<hbm>>
        %dma_start3A_267 = tpu.memref_squeeze %dma_start3A_266 : memref<1x1x33408xf32, #tpu.memory_space<hbm>> -> memref<33408xf32, #tpu.memory_space<hbm>>
        %dma_start3A_268 = arith.constant 0 : i32
        %dma_start3A_269 = tpu.memref_slice %arg6[%dma_start3A_268] : memref<33408xf32, #tpu.memory_space<vmem>> -> memref<33408xf32, #tpu.memory_space<vmem>>
        %dma_start3A_270 = arith.constant 33408 : i32
        %dma_start3A_271 = tpu.memref_slice %arg2[%add3A_262, %add3A, %dma_start3A_270] : memref<26x32x100000xf32, #tpu.memory_space<hbm>> -> memref<1x1x33408xf32, #tpu.memory_space<hbm>>
        %dma_start3A_272 = tpu.memref_squeeze %dma_start3A_271 : memref<1x1x33408xf32, #tpu.memory_space<hbm>> -> memref<33408xf32, #tpu.memory_space<hbm>>
        tpu.enqueue_dma source(%dma_start3A_272 : memref<33408xf32, #tpu.memory_space<hbm>>) target(%dma_start3A_269 : memref<33408xf32, #tpu.memory_space<vmem>>) target_semaphore(%arg11 : memref<!tpu.dma_semaphore, #tpu.memory_space<semaphore_mem>>)
      } else {
      }
      %dma_start3A_144 = arith.constant 0 : i32
      %dma_start3A_145 = tpu.memref_slice %arg5[%add3A_45, %add3A, %dma_start3A_144] : memref<26x32x16384xf32, #tpu.memory_space<hbm>> -> memref<1x1x16384xf32, #tpu.memory_space<hbm>>
      %dma_start3A_146 = tpu.memref_squeeze %dma_start3A_145 : memref<1x1x16384xf32, #tpu.memory_space<hbm>> -> memref<16384xf32, #tpu.memory_space<hbm>>
      %dma_start3A_147 = arith.constant 0 : i32
      %dma_start3A_148 = tpu.memref_slice %arg5[%add3A_45, %add3A, %dma_start3A_147] : memref<26x32x16384xf32, #tpu.memory_space<hbm>> -> memref<1x1x16384xf32, #tpu.memory_space<hbm>>
      %dma_start3A_149 = tpu.memref_squeeze %dma_start3A_148 : memref<1x1x16384xf32, #tpu.memory_space<hbm>> -> memref<16384xf32, #tpu.memory_space<hbm>>
      tpu.enqueue_dma source(%arg10 : memref<16384xf32, #tpu.memory_space<vmem>>) target(%dma_start3A_149 : memref<16384xf32, #tpu.memory_space<hbm>>) target_semaphore(%arg15 : memref<!tpu.dma_semaphore, #tpu.memory_space<semaphore_mem>>)
      %add3A_150 = arith.constant 1 : i32
      %add3A_151 = arith.addi %add3A_43, %add3A_150 : i32
      %dma_wait3A_152 = arith.constant 0 : i32
      %dma_wait3A_153 = tpu.memref_slice %arg3[%add3A_151, %dma_wait3A_152] : memref<26x16384xi32, #tpu.memory_space<hbm>> -> memref<1x16384xi32, #tpu.memory_space<hbm>>
      %dma_wait3A_154 = tpu.memref_squeeze %dma_wait3A_153 : memref<1x16384xi32, #tpu.memory_space<hbm>> -> memref<16384xi32, #tpu.memory_space<hbm>>
      %dma_wait3A_155 = arith.constant 0 : i32
      %dma_wait3A_156 = tpu.memref_slice %arg3[%add3A_151, %dma_wait3A_155] : memref<26x16384xi32, #tpu.memory_space<hbm>> -> memref<1x16384xi32, #tpu.memory_space<hbm>>
      %dma_wait3A_157 = tpu.memref_squeeze %dma_wait3A_156 : memref<1x16384xi32, #tpu.memory_space<hbm>> -> memref<16384xi32, #tpu.memory_space<hbm>>
      tpu.wait_dma2 semaphore(%arg14 : memref<!tpu.dma_semaphore, #tpu.memory_space<semaphore_mem>>) src(%dma_wait3A_157 : memref<16384xi32, #tpu.memory_space<hbm>>) dst(%arg9 : memref<16384xi32, #tpu.memory_space<vmem>>)
      %add3A_158 = arith.constant 1 : i32
      %add3A_159 = arith.addi %add3A_151, %add3A_158 : i32
      %lt3A_160 = arith.constant 26 : i32
      %lt3A_161 = arith.cmpi slt, %add3A_159, %lt3A_160 : i32
      %convert_element_type3A_162 = arith.extui %lt3A_161 : i1 to i32
      %cond3A_163 = arith.constant 0 : i32
      %cond3A_164 = arith.cmpi ne, %convert_element_type3A_162, %cond3A_163 : i32
      scf.if %cond3A_164 {
        %add3A_261 = arith.constant 1 : i32
        %add3A_262 = arith.addi %add3A_151, %add3A_261 : i32
        %dma_start3A_263 = arith.constant 0 : i32
        %dma_start3A_264 = tpu.memref_slice %arg3[%add3A_262, %dma_start3A_263] : memref<26x16384xi32, #tpu.memory_space<hbm>> -> memref<1x16384xi32, #tpu.memory_space<hbm>>
        %dma_start3A_265 = tpu.memref_squeeze %dma_start3A_264 : memref<1x16384xi32, #tpu.memory_space<hbm>> -> memref<16384xi32, #tpu.memory_space<hbm>>
        %dma_start3A_266 = arith.constant 0 : i32
        %dma_start3A_267 = tpu.memref_slice %arg3[%add3A_262, %dma_start3A_266] : memref<26x16384xi32, #tpu.memory_space<hbm>> -> memref<1x16384xi32, #tpu.memory_space<hbm>>
        %dma_start3A_268 = tpu.memref_squeeze %dma_start3A_267 : memref<1x16384xi32, #tpu.memory_space<hbm>> -> memref<16384xi32, #tpu.memory_space<hbm>>
        tpu.enqueue_dma source(%dma_start3A_268 : memref<16384xi32, #tpu.memory_space<hbm>>) target(%arg8 : memref<16384xi32, #tpu.memory_space<vmem>>) target_semaphore(%arg13 : memref<!tpu.dma_semaphore, #tpu.memory_space<semaphore_mem>>)
      } else {
      }
      %add3A_165 = arith.constant 1 : i32
      %add3A_166 = arith.addi %add3A_43, %add3A_165 : i32
      %ge3A_167 = arith.constant 1 : i32
      %ge3A_168 = arith.cmpi sge, %add3A_166, %ge3A_167 : i32
      %convert_element_type3A_169 = arith.extui %ge3A_168 : i1 to i32
      %cond3A_170 = arith.constant 0 : i32
      %cond3A_171 = arith.cmpi ne, %convert_element_type3A_169, %cond3A_170 : i32
      scf.if %cond3A_171 {
        %sub3A = arith.constant 1 : i32
        %sub3A_261 = arith.subi %add3A_151, %sub3A : i32
        %dma_wait3A_262 = arith.constant 0 : i32
        %dma_wait3A_263 = tpu.memref_slice %arg5[%sub3A_261, %add3A, %dma_wait3A_262] : memref<26x32x16384xf32, #tpu.memory_space<hbm>> -> memref<1x1x16384xf32, #tpu.memory_space<hbm>>
        %dma_wait3A_264 = tpu.memref_squeeze %dma_wait3A_263 : memref<1x1x16384xf32, #tpu.memory_space<hbm>> -> memref<16384xf32, #tpu.memory_space<hbm>>
        %dma_wait3A_265 = arith.constant 0 : i32
        %dma_wait3A_266 = tpu.memref_slice %arg5[%sub3A_261, %add3A, %dma_wait3A_265] : memref<26x32x16384xf32, #tpu.memory_space<hbm>> -> memref<1x1x16384xf32, #tpu.memory_space<hbm>>
        %dma_wait3A_267 = tpu.memref_squeeze %dma_wait3A_266 : memref<1x1x16384xf32, #tpu.memory_space<hbm>> -> memref<16384xf32, #tpu.memory_space<hbm>>
        tpu.wait_dma2 semaphore(%arg15 : memref<!tpu.dma_semaphore, #tpu.memory_space<semaphore_mem>>) src(%arg10 : memref<16384xf32, #tpu.memory_space<vmem>>) dst(%dma_wait3A_267 : memref<16384xf32, #tpu.memory_space<hbm>>)
      } else {
      }
      %dma_wait3A_172 = arith.constant 0 : i32
      %dma_wait3A_173 = tpu.memref_slice %arg7[%dma_wait3A_172] : memref<33408xf32, #tpu.memory_space<vmem>> -> memref<33408xf32, #tpu.memory_space<vmem>>
      %dma_wait3A_174 = arith.constant 0 : i32
      %dma_wait3A_175 = tpu.memref_slice %arg2[%add3A_151, %add3A, %dma_wait3A_174] : memref<26x32x100000xf32, #tpu.memory_space<hbm>> -> memref<1x1x33408xf32, #tpu.memory_space<hbm>>
      %dma_wait3A_176 = tpu.memref_squeeze %dma_wait3A_175 : memref<1x1x33408xf32, #tpu.memory_space<hbm>> -> memref<33408xf32, #tpu.memory_space<hbm>>
      %dma_wait3A_177 = arith.constant 0 : i32
      %dma_wait3A_178 = tpu.memref_slice %arg7[%dma_wait3A_177] : memref<33408xf32, #tpu.memory_space<vmem>> -> memref<33408xf32, #tpu.memory_space<vmem>>
      %dma_wait3A_179 = arith.constant 0 : i32
      %dma_wait3A_180 = tpu.memref_slice %arg2[%add3A_151, %add3A, %dma_wait3A_179] : memref<26x32x100000xf32, #tpu.memory_space<hbm>> -> memref<1x1x33408xf32, #tpu.memory_space<hbm>>
      %dma_wait3A_181 = tpu.memref_squeeze %dma_wait3A_180 : memref<1x1x33408xf32, #tpu.memory_space<hbm>> -> memref<33408xf32, #tpu.memory_space<hbm>>
      tpu.wait_dma2 semaphore(%arg12 : memref<!tpu.dma_semaphore, #tpu.memory_space<semaphore_mem>>) src(%dma_wait3A_181 : memref<33408xf32, #tpu.memory_space<hbm>>) dst(%dma_wait3A_178 : memref<33408xf32, #tpu.memory_space<vmem>>)
      %parallel_loop3A_182 = arith.constant 0 : i32
      %parallel_loop3A_183 = arith.constant 1024 : i32
      %parallel_loop3A_184 = arith.constant 1 : i32
      scf.for %parallel_loop3A_261 = %parallel_loop3A_182 to %parallel_loop3A_183 step %parallel_loop3A_184  : i32 {
        %parallel_loop3A_262 = arith.constant 16 : i32
        %parallel_loop3A_263 = arith.muli %parallel_loop3A_261, %parallel_loop3A_262 : i32
        %parallel_loop3A_264 = arith.index_cast %parallel_loop3A_263 : i32 to index
        %parallel_loop3A_265 = tpu.vector_load %arg9[%parallel_loop3A_264] {strides = array<i32>} : memref<16384xi32, #tpu.memory_space<vmem>>, vector<16xi32>,
        %parallel_loop3A_266 = arith.constant 0 : i32
        %parallel_loop3A_267 = vector.broadcast %parallel_loop3A_266 : i32 to vector<16xi32>
        %parallel_loop3A_268 = arith.subi %parallel_loop3A_265, %parallel_loop3A_267 : vector<16xi32>
        %parallel_loop3A_269 = vector.bitcast %parallel_loop3A_268 : vector<16xi32> to vector<16xi32>
        %parallel_loop3A_270 = arith.constant 33408 : i32
        %parallel_loop3A_271 = vector.broadcast %parallel_loop3A_270 : i32 to vector<16xi32>
        %parallel_loop3A_272 = arith.cmpi ult, %parallel_loop3A_269, %parallel_loop3A_271 : vector<16xi32>
        %parallel_loop3A_273 = arith.constant 33407 : i32
        %parallel_loop3A_274 = vector.broadcast %parallel_loop3A_273 : i32 to vector<16xi32>
        %parallel_loop3A_275 = arith.minui %parallel_loop3A_269, %parallel_loop3A_274 : vector<16xi32>
        %parallel_loop3A_276 = vector.bitcast %parallel_loop3A_275 : vector<16xi32> to vector<16xi32>
        %parallel_loop3A_277 = tpu.vector_load_idx %arg7[%parallel_loop3A_276] : memref<33408xf32, #tpu.memory_space<vmem>>[vector<16xi32>], vector<16xf32>,
        %parallel_loop3A_278 = arith.constant 16 : i32
        %parallel_loop3A_279 = arith.muli %parallel_loop3A_261, %parallel_loop3A_278 : i32
        %parallel_loop3A_280 = vector.broadcast %parallel_loop3A_279 : i32 to vector<16xi32>
        %parallel_loop3A_281 = arith.addi %iota3A, %parallel_loop3A_280 : vector<16xi32>
        tpu.vector_store_idx %arg10[%parallel_loop3A_281], %parallel_loop3A_277 masked %parallel_loop3A_272 : memref<16384xf32, #tpu.memory_space<vmem>>[vector<16xi32>], vector<16xf32>, vector<16xi1>
      } {sc.loop_unroll_factor = 16 : i64, sc.parallel_access}
      %dma_start3A_185 = arith.constant 0 : i32
      %dma_start3A_186 = tpu.memref_slice %arg7[%dma_start3A_185] : memref<33408xf32, #tpu.memory_space<vmem>> -> memref<33152xf32, #tpu.memory_space<vmem>>
      %dma_start3A_187 = arith.constant 66816 : i32
      %dma_start3A_188 = tpu.memref_slice %arg2[%add3A_151, %add3A, %dma_start3A_187] : memref<26x32x100000xf32, #tpu.memory_space<hbm>> -> memref<1x1x33152xf32, #tpu.memory_space<hbm>>
      %dma_start3A_189 = tpu.memref_squeeze %dma_start3A_188 : memref<1x1x33152xf32, #tpu.memory_space<hbm>> -> memref<33152xf32, #tpu.memory_space<hbm>>
      %dma_start3A_190 = arith.constant 0 : i32
      %dma_start3A_191 = tpu.memref_slice %arg7[%dma_start3A_190] : memref<33408xf32, #tpu.memory_space<vmem>> -> memref<33152xf32, #tpu.memory_space<vmem>>
      %dma_start3A_192 = arith.constant 66816 : i32
      %dma_start3A_193 = tpu.memref_slice %arg2[%add3A_151, %add3A, %dma_start3A_192] : memref<26x32x100000xf32, #tpu.memory_space<hbm>> -> memref<1x1x33152xf32, #tpu.memory_space<hbm>>
      %dma_start3A_194 = tpu.memref_squeeze %dma_start3A_193 : memref<1x1x33152xf32, #tpu.memory_space<hbm>> -> memref<33152xf32, #tpu.memory_space<hbm>>
      tpu.enqueue_dma source(%dma_start3A_194 : memref<33152xf32, #tpu.memory_space<hbm>>) target(%dma_start3A_191 : memref<33152xf32, #tpu.memory_space<vmem>>) target_semaphore(%arg12 : memref<!tpu.dma_semaphore, #tpu.memory_space<semaphore_mem>>)
      %dma_start3A_195 = arith.constant 33152 : i32
      %dma_start3A_196 = tpu.memref_slice %arg7[%dma_start3A_195] : memref<33408xf32, #tpu.memory_space<vmem>> -> memref<128xf32, #tpu.memory_space<vmem>>
      %dma_start3A_197 = arith.constant 0 : i32
      %dma_start3A_198 = tpu.memref_slice %arg4[%add3A_151, %add3A, %dma_start3A_197] : memref<26x32x128xf32, #tpu.memory_space<hbm>> -> memref<1x1x128xf32, #tpu.memory_space<hbm>>
      %dma_start3A_199 = tpu.memref_squeeze %dma_start3A_198 : memref<1x1x128xf32, #tpu.memory_space<hbm>> -> memref<128xf32, #tpu.memory_space<hbm>>
      %dma_start3A_200 = arith.constant 33152 : i32
      %dma_start3A_201 = tpu.memref_slice %arg7[%dma_start3A_200] : memref<33408xf32, #tpu.memory_space<vmem>> -> memref<128xf32, #tpu.memory_space<vmem>>
      %dma_start3A_202 = arith.constant 0 : i32
      %dma_start3A_203 = tpu.memref_slice %arg4[%add3A_151, %add3A, %dma_start3A_202] : memref<26x32x128xf32, #tpu.memory_space<hbm>> -> memref<1x1x128xf32, #tpu.memory_space<hbm>>
      %dma_start3A_204 = tpu.memref_squeeze %dma_start3A_203 : memref<1x1x128xf32, #tpu.memory_space<hbm>> -> memref<128xf32, #tpu.memory_space<hbm>>
      tpu.enqueue_dma source(%dma_start3A_204 : memref<128xf32, #tpu.memory_space<hbm>>) target(%dma_start3A_201 : memref<128xf32, #tpu.memory_space<vmem>>) target_semaphore(%arg12 : memref<!tpu.dma_semaphore, #tpu.memory_space<semaphore_mem>>)
      %dma_wait3A_205 = arith.constant 0 : i32
      %dma_wait3A_206 = tpu.memref_slice %arg6[%dma_wait3A_205] : memref<33408xf32, #tpu.memory_space<vmem>> -> memref<33408xf32, #tpu.memory_space<vmem>>
      %dma_wait3A_207 = arith.constant 33408 : i32
      %dma_wait3A_208 = tpu.memref_slice %arg2[%add3A_151, %add3A, %dma_wait3A_207] : memref<26x32x100000xf32, #tpu.memory_space<hbm>> -> memref<1x1x33408xf32, #tpu.memory_space<hbm>>
      %dma_wait3A_209 = tpu.memref_squeeze %dma_wait3A_208 : memref<1x1x33408xf32, #tpu.memory_space<hbm>> -> memref<33408xf32, #tpu.memory_space<hbm>>
      %dma_wait3A_210 = arith.constant 0 : i32
      %dma_wait3A_211 = tpu.memref_slice %arg6[%dma_wait3A_210] : memref<33408xf32, #tpu.memory_space<vmem>> -> memref<33408xf32, #tpu.memory_space<vmem>>
      %dma_wait3A_212 = arith.constant 33408 : i32
      %dma_wait3A_213 = tpu.memref_slice %arg2[%add3A_151, %add3A, %dma_wait3A_212] : memref<26x32x100000xf32, #tpu.memory_space<hbm>> -> memref<1x1x33408xf32, #tpu.memory_space<hbm>>
      %dma_wait3A_214 = tpu.memref_squeeze %dma_wait3A_213 : memref<1x1x33408xf32, #tpu.memory_space<hbm>> -> memref<33408xf32, #tpu.memory_space<hbm>>
      tpu.wait_dma2 semaphore(%arg11 : memref<!tpu.dma_semaphore, #tpu.memory_space<semaphore_mem>>) src(%dma_wait3A_214 : memref<33408xf32, #tpu.memory_space<hbm>>) dst(%dma_wait3A_211 : memref<33408xf32, #tpu.memory_space<vmem>>)
      %parallel_loop3A_215 = arith.constant 0 : i32
      %parallel_loop3A_216 = arith.constant 1024 : i32
      %parallel_loop3A_217 = arith.constant 1 : i32
      scf.for %parallel_loop3A_261 = %parallel_loop3A_215 to %parallel_loop3A_216 step %parallel_loop3A_217  : i32 {
        %parallel_loop3A_262 = arith.constant 16 : i32
        %parallel_loop3A_263 = arith.muli %parallel_loop3A_261, %parallel_loop3A_262 : i32
        %parallel_loop3A_264 = arith.index_cast %parallel_loop3A_263 : i32 to index
        %parallel_loop3A_265 = tpu.vector_load %arg9[%parallel_loop3A_264] {strides = array<i32>} : memref<16384xi32, #tpu.memory_space<vmem>>, vector<16xi32>,
        %parallel_loop3A_266 = arith.constant 33408 : i32
        %parallel_loop3A_267 = vector.broadcast %parallel_loop3A_266 : i32 to vector<16xi32>
        %parallel_loop3A_268 = arith.subi %parallel_loop3A_265, %parallel_loop3A_267 : vector<16xi32>
        %parallel_loop3A_269 = vector.bitcast %parallel_loop3A_268 : vector<16xi32> to vector<16xi32>
        %parallel_loop3A_270 = arith.constant 33408 : i32
        %parallel_loop3A_271 = vector.broadcast %parallel_loop3A_270 : i32 to vector<16xi32>
        %parallel_loop3A_272 = arith.cmpi ult, %parallel_loop3A_269, %parallel_loop3A_271 : vector<16xi32>
        %parallel_loop3A_273 = arith.constant 33407 : i32
        %parallel_loop3A_274 = vector.broadcast %parallel_loop3A_273 : i32 to vector<16xi32>
        %parallel_loop3A_275 = arith.minui %parallel_loop3A_269, %parallel_loop3A_274 : vector<16xi32>
        %parallel_loop3A_276 = vector.bitcast %parallel_loop3A_275 : vector<16xi32> to vector<16xi32>
        %parallel_loop3A_277 = tpu.vector_load_idx %arg6[%parallel_loop3A_276] : memref<33408xf32, #tpu.memory_space<vmem>>[vector<16xi32>], vector<16xf32>,
        %parallel_loop3A_278 = arith.constant 16 : i32
        %parallel_loop3A_279 = arith.muli %parallel_loop3A_261, %parallel_loop3A_278 : i32
        %parallel_loop3A_280 = vector.broadcast %parallel_loop3A_279 : i32 to vector<16xi32>
        %parallel_loop3A_281 = arith.addi %iota3A, %parallel_loop3A_280 : vector<16xi32>
        tpu.vector_store_idx %arg10[%parallel_loop3A_281], %parallel_loop3A_277 masked %parallel_loop3A_272 : memref<16384xf32, #tpu.memory_space<vmem>>[vector<16xi32>], vector<16xf32>, vector<16xi1>
      } {sc.loop_unroll_factor = 16 : i64, sc.parallel_access}
      %add3A_218 = arith.constant 1 : i32
      %add3A_219 = arith.addi %add3A_151, %add3A_218 : i32
      %lt3A_220 = arith.constant 26 : i32
      %lt3A_221 = arith.cmpi slt, %add3A_219, %lt3A_220 : i32
      %convert_element_type3A_222 = arith.extui %lt3A_221 : i1 to i32
      %cond3A_223 = arith.constant 0 : i32
      %cond3A_224 = arith.cmpi ne, %convert_element_type3A_222, %cond3A_223 : i32
      scf.if %cond3A_224 {
        %add3A_261 = arith.constant 1 : i32
        %add3A_262 = arith.addi %add3A_151, %add3A_261 : i32
        %dma_start3A_263 = arith.constant 0 : i32
        %dma_start3A_264 = tpu.memref_slice %arg6[%dma_start3A_263] : memref<33408xf32, #tpu.memory_space<vmem>> -> memref<33408xf32, #tpu.memory_space<vmem>>
        %dma_start3A_265 = arith.constant 0 : i32
        %dma_start3A_266 = tpu.memref_slice %arg2[%add3A_262, %add3A, %dma_start3A_265] : memref<26x32x100000xf32, #tpu.memory_space<hbm>> -> memref<1x1x33408xf32, #tpu.memory_space<hbm>>
        %dma_start3A_267 = tpu.memref_squeeze %dma_start3A_266 : memref<1x1x33408xf32, #tpu.memory_space<hbm>> -> memref<33408xf32, #tpu.memory_space<hbm>>
        %dma_start3A_268 = arith.constant 0 : i32
        %dma_start3A_269 = tpu.memref_slice %arg6[%dma_start3A_268] : memref<33408xf32, #tpu.memory_space<vmem>> -> memref<33408xf32, #tpu.memory_space<vmem>>
        %dma_start3A_270 = arith.constant 0 : i32
        %dma_start3A_271 = tpu.memref_slice %arg2[%add3A_262, %add3A, %dma_start3A_270] : memref<26x32x100000xf32, #tpu.memory_space<hbm>> -> memref<1x1x33408xf32, #tpu.memory_space<hbm>>
        %dma_start3A_272 = tpu.memref_squeeze %dma_start3A_271 : memref<1x1x33408xf32, #tpu.memory_space<hbm>> -> memref<33408xf32, #tpu.memory_space<hbm>>
        tpu.enqueue_dma source(%dma_start3A_272 : memref<33408xf32, #tpu.memory_space<hbm>>) target(%dma_start3A_269 : memref<33408xf32, #tpu.memory_space<vmem>>) target_semaphore(%arg11 : memref<!tpu.dma_semaphore, #tpu.memory_space<semaphore_mem>>)
      } else {
      }
      %dma_wait3A_225 = arith.constant 0 : i32
      %dma_wait3A_226 = tpu.memref_slice %arg7[%dma_wait3A_225] : memref<33408xf32, #tpu.memory_space<vmem>> -> memref<33152xf32, #tpu.memory_space<vmem>>
      %dma_wait3A_227 = arith.constant 66816 : i32
      %dma_wait3A_228 = tpu.memref_slice %arg2[%add3A_151, %add3A, %dma_wait3A_227] : memref<26x32x100000xf32, #tpu.memory_space<hbm>> -> memref<1x1x33152xf32, #tpu.memory_space<hbm>>
      %dma_wait3A_229 = tpu.memref_squeeze %dma_wait3A_228 : memref<1x1x33152xf32, #tpu.memory_space<hbm>> -> memref<33152xf32, #tpu.memory_space<hbm>>
      %dma_wait3A_230 = arith.constant 0 : i32
      %dma_wait3A_231 = tpu.memref_slice %arg7[%dma_wait3A_230] : memref<33408xf32, #tpu.memory_space<vmem>> -> memref<33152xf32, #tpu.memory_space<vmem>>
      %dma_wait3A_232 = arith.constant 66816 : i32
      %dma_wait3A_233 = tpu.memref_slice %arg2[%add3A_151, %add3A, %dma_wait3A_232] : memref<26x32x100000xf32, #tpu.memory_space<hbm>> -> memref<1x1x33152xf32, #tpu.memory_space<hbm>>
      %dma_wait3A_234 = tpu.memref_squeeze %dma_wait3A_233 : memref<1x1x33152xf32, #tpu.memory_space<hbm>> -> memref<33152xf32, #tpu.memory_space<hbm>>
      tpu.wait_dma2 semaphore(%arg12 : memref<!tpu.dma_semaphore, #tpu.memory_space<semaphore_mem>>) src(%dma_wait3A_234 : memref<33152xf32, #tpu.memory_space<hbm>>) dst(%dma_wait3A_231 : memref<33152xf32, #tpu.memory_space<vmem>>)
      %dma_wait3A_235 = arith.constant 33152 : i32
      %dma_wait3A_236 = tpu.memref_slice %arg7[%dma_wait3A_235] : memref<33408xf32, #tpu.memory_space<vmem>> -> memref<128xf32, #tpu.memory_space<vmem>>
      %dma_wait3A_237 = arith.constant 0 : i32
      %dma_wait3A_238 = tpu.memref_slice %arg4[%add3A_151, %add3A, %dma_wait3A_237] : memref<26x32x128xf32, #tpu.memory_space<hbm>> -> memref<1x1x128xf32, #tpu.memory_space<hbm>>
      %dma_wait3A_239 = tpu.memref_squeeze %dma_wait3A_238 : memref<1x1x128xf32, #tpu.memory_space<hbm>> -> memref<128xf32, #tpu.memory_space<hbm>>
      %dma_wait3A_240 = arith.constant 33152 : i32
      %dma_wait3A_241 = tpu.memref_slice %arg7[%dma_wait3A_240] : memref<33408xf32, #tpu.memory_space<vmem>> -> memref<128xf32, #tpu.memory_space<vmem>>
      %dma_wait3A_242 = arith.constant 0 : i32
      %dma_wait3A_243 = tpu.memref_slice %arg4[%add3A_151, %add3A, %dma_wait3A_242] : memref<26x32x128xf32, #tpu.memory_space<hbm>> -> memref<1x1x128xf32, #tpu.memory_space<hbm>>
      %dma_wait3A_244 = tpu.memref_squeeze %dma_wait3A_243 : memref<1x1x128xf32, #tpu.memory_space<hbm>> -> memref<128xf32, #tpu.memory_space<hbm>>
      tpu.wait_dma2 semaphore(%arg12 : memref<!tpu.dma_semaphore, #tpu.memory_space<semaphore_mem>>) src(%dma_wait3A_244 : memref<128xf32, #tpu.memory_space<hbm>>) dst(%dma_wait3A_241 : memref<128xf32, #tpu.memory_space<vmem>>)
      %parallel_loop3A_245 = arith.constant 0 : i32
      %parallel_loop3A_246 = arith.constant 1024 : i32
      %parallel_loop3A_247 = arith.constant 1 : i32
      scf.for %parallel_loop3A_261 = %parallel_loop3A_245 to %parallel_loop3A_246 step %parallel_loop3A_247  : i32 {
        %parallel_loop3A_262 = arith.constant 16 : i32
        %parallel_loop3A_263 = arith.muli %parallel_loop3A_261, %parallel_loop3A_262 : i32
        %parallel_loop3A_264 = arith.index_cast %parallel_loop3A_263 : i32 to index
        %parallel_loop3A_265 = tpu.vector_load %arg9[%parallel_loop3A_264] {strides = array<i32>} : memref<16384xi32, #tpu.memory_space<vmem>>, vector<16xi32>,
        %parallel_loop3A_266 = arith.constant 66816 : i32
        %parallel_loop3A_267 = vector.broadcast %parallel_loop3A_266 : i32 to vector<16xi32>
        %parallel_loop3A_268 = arith.subi %parallel_loop3A_265, %parallel_loop3A_267 : vector<16xi32>
        %parallel_loop3A_269 = vector.bitcast %parallel_loop3A_268 : vector<16xi32> to vector<16xi32>
        %parallel_loop3A_270 = arith.constant 33184 : i32
        %parallel_loop3A_271 = vector.broadcast %parallel_loop3A_270 : i32 to vector<16xi32>
        %parallel_loop3A_272 = arith.cmpi ult, %parallel_loop3A_269, %parallel_loop3A_271 : vector<16xi32>
        %parallel_loop3A_273 = arith.constant 33183 : i32
        %parallel_loop3A_274 = vector.broadcast %parallel_loop3A_273 : i32 to vector<16xi32>
        %parallel_loop3A_275 = arith.minui %parallel_loop3A_269, %parallel_loop3A_274 : vector<16xi32>
        %parallel_loop3A_276 = vector.bitcast %parallel_loop3A_275 : vector<16xi32> to vector<16xi32>
        %parallel_loop3A_277 = tpu.vector_load_idx %arg7[%parallel_loop3A_276] : memref<33408xf32, #tpu.memory_space<vmem>>[vector<16xi32>], vector<16xf32>,
        %parallel_loop3A_278 = arith.constant 16 : i32
        %parallel_loop3A_279 = arith.muli %parallel_loop3A_261, %parallel_loop3A_278 : i32
        %parallel_loop3A_280 = vector.broadcast %parallel_loop3A_279 : i32 to vector<16xi32>
        %parallel_loop3A_281 = arith.addi %iota3A, %parallel_loop3A_280 : vector<16xi32>
        tpu.vector_store_idx %arg10[%parallel_loop3A_281], %parallel_loop3A_277 masked %parallel_loop3A_272 : memref<16384xf32, #tpu.memory_space<vmem>>[vector<16xi32>], vector<16xf32>, vector<16xi1>
      } {sc.loop_unroll_factor = 16 : i64, sc.parallel_access}
      %add3A_248 = arith.constant 1 : i32
      %add3A_249 = arith.addi %add3A_151, %add3A_248 : i32
      %lt3A_250 = arith.constant 26 : i32
      %lt3A_251 = arith.cmpi slt, %add3A_249, %lt3A_250 : i32
      %convert_element_type3A_252 = arith.extui %lt3A_251 : i1 to i32
      %cond3A_253 = arith.constant 0 : i32
      %cond3A_254 = arith.cmpi ne, %convert_element_type3A_252, %cond3A_253 : i32
      scf.if %cond3A_254 {
        %add3A_261 = arith.constant 1 : i32
        %add3A_262 = arith.addi %add3A_151, %add3A_261 : i32
        %dma_start3A_263 = arith.constant 0 : i32
        %dma_start3A_264 = tpu.memref_slice %arg7[%dma_start3A_263] : memref<33408xf32, #tpu.memory_space<vmem>> -> memref<33408xf32, #tpu.memory_space<vmem>>
        %dma_start3A_265 = arith.constant 33408 : i32
        %dma_start3A_266 = tpu.memref_slice %arg2[%add3A_262, %add3A, %dma_start3A_265] : memref<26x32x100000xf32, #tpu.memory_space<hbm>> -> memref<1x1x33408xf32, #tpu.memory_space<hbm>>
        %dma_start3A_267 = tpu.memref_squeeze %dma_start3A_266 : memref<1x1x33408xf32, #tpu.memory_space<hbm>> -> memref<33408xf32, #tpu.memory_space<hbm>>
        %dma_start3A_268 = arith.constant 0 : i32
        %dma_start3A_269 = tpu.memref_slice %arg7[%dma_start3A_268] : memref<33408xf32, #tpu.memory_space<vmem>> -> memref<33408xf32, #tpu.memory_space<vmem>>
        %dma_start3A_270 = arith.constant 33408 : i32
        %dma_start3A_271 = tpu.memref_slice %arg2[%add3A_262, %add3A, %dma_start3A_270] : memref<26x32x100000xf32, #tpu.memory_space<hbm>> -> memref<1x1x33408xf32, #tpu.memory_space<hbm>>
        %dma_start3A_272 = tpu.memref_squeeze %dma_start3A_271 : memref<1x1x33408xf32, #tpu.memory_space<hbm>> -> memref<33408xf32, #tpu.memory_space<hbm>>
        tpu.enqueue_dma source(%dma_start3A_272 : memref<33408xf32, #tpu.memory_space<hbm>>) target(%dma_start3A_269 : memref<33408xf32, #tpu.memory_space<vmem>>) target_semaphore(%arg12 : memref<!tpu.dma_semaphore, #tpu.memory_space<semaphore_mem>>)
      } else {
      }
      %dma_start3A_255 = arith.constant 0 : i32
      %dma_start3A_256 = tpu.memref_slice %arg5[%add3A_151, %add3A, %dma_start3A_255] : memref<26x32x16384xf32, #tpu.memory_space<hbm>> -> memref<1x1x16384xf32, #tpu.memory_space<hbm>>
      %dma_start3A_257 = tpu.memref_squeeze %dma_start3A_256 : memref<1x1x16384xf32, #tpu.memory_space<hbm>> -> memref<16384xf32, #tpu.memory_space<hbm>>
      %dma_start3A_258 = arith.constant 0 : i32
      %dma_start3A_259 = tpu.memref_slice %arg5[%add3A_151, %add3A, %dma_start3A_258] : memref<26x32x16384xf32, #tpu.memory_space<hbm>> -> memref<1x1x16384xf32, #tpu.memory_space<hbm>>
      %dma_start3A_260 = tpu.memref_squeeze %dma_start3A_259 : memref<1x1x16384xf32, #tpu.memory_space<hbm>> -> memref<16384xf32, #tpu.memory_space<hbm>>
      tpu.enqueue_dma source(%arg10 : memref<16384xf32, #tpu.memory_space<vmem>>) target(%dma_start3A_260 : memref<16384xf32, #tpu.memory_space<hbm>>) target_semaphore(%arg15 : memref<!tpu.dma_semaphore, #tpu.memory_space<semaphore_mem>>)
    }
    %scan3A_32 = arith.constant 13 : i32
    %dma_wait3A = arith.constant 25 : i32
    %dma_wait3A_33 = arith.constant 0 : i32
    %dma_wait3A_34 = tpu.memref_slice %arg5[%dma_wait3A, %add3A, %dma_wait3A_33] : memref<26x32x16384xf32, #tpu.memory_space<hbm>> -> memref<1x1x16384xf32, #tpu.memory_space<hbm>>
    %dma_wait3A_35 = tpu.memref_squeeze %dma_wait3A_34 : memref<1x1x16384xf32, #tpu.memory_space<hbm>> -> memref<16384xf32, #tpu.memory_space<hbm>>
    %dma_wait3A_36 = arith.constant 0 : i32
    %dma_wait3A_37 = tpu.memref_slice %arg5[%dma_wait3A, %add3A, %dma_wait3A_36] : memref<26x32x16384xf32, #tpu.memory_space<hbm>> -> memref<1x1x16384xf32, #tpu.memory_space<hbm>>
    %dma_wait3A_38 = tpu.memref_squeeze %dma_wait3A_37 : memref<1x1x16384xf32, #tpu.memory_space<hbm>> -> memref<16384xf32, #tpu.memory_space<hbm>>
    tpu.wait_dma2 semaphore(%arg15 : memref<!tpu.dma_semaphore, #tpu.memory_space<semaphore_mem>>) src(%arg10 : memref<16384xf32, #tpu.memory_space<vmem>>) dst(%dma_wait3A_38 : memref<16384xf32, #tpu.memory_space<hbm>>)
    return
  }
}

</mosaic_0001>

<sc_bundles>
// kernel: kernel.3.cloned.1.call-start
scs
__scs_entry_jumppad:
0x0: {  	(pc) =	sbr.rel $0x88, $3  }
0x1: {  	(tag) =	ssettag $0x0;
	lr =	simm.s32 $0x1  }
0x2: {  	[smem:$0x3F9F] =	sst lr;
	_ =	strace $0xD0000000  }
0x3: {  	_ = 	snop  }
0x4: {  	_ = 	snop  }
0x5: {  	_ = 	snop  }
0x6: {  	_ = 	snop  }
0x7: {  	_ = 	snop  }
__scs_overlays_trampoline_lowered:
0x8: {  	[smem:$0x3FAE] =	sst s0  }
0x9: {  	[smem:$0x3FAF] =	sst s1  }
0xa: {  	[smem:$0x3FB0] =	sst s2  }
0xb: {  	[smem:$0x3FB1] =	sst s3  }
0xc: {  	[smem:$0x3FB2] =	sst s4  }
0xd: {  	[smem:$0x3FB3] =	sst s5  }
0xe: {  	[smem:$0x3FB4] =	sst s6  }
0xf: {  	[smem:$0x3FB5] =	sst s7  }
0x10: {  	[smem:$0x3FB6] =	sst s8  }
0x11: {  	[smem:$0x3FB7] =	sst s9;
	s0 =	simm.s32 @!p0 $0x0  }
0x12: {  	s1 =	sld [smem:$0x3F9D];
	s0 =	simm.s32 @p0 $0x1  }
0x13: {  	[smem:$0x3FB8] =	sst s0;
	s0 =	simm.s32 @!p1 $0x0  }
0x14: {  	s2 =	sld [smem:$0x3F9C];
	s0 =	simm.s32 @p1 $0x1  }
0x15: {  	[smem:$0x3FB9] =	sst s0;
	s0 =	simm.s32 @!p2 $0x0  }
0x16: {  	s3 =	sld [smem:$0x3FDB];
	s0 =	simm.s32 @p2 $0x1  }
0x17: {  	s4 =	simm.s32 $0x1BF5;
	[smem:$0x3FBB] =	sst s0  }
0x18: {  	s0 =	sld [smem:$0x3F9E];
	_ =	swait.ge [sflag:s4], $0x0  }
0x19: {  	s7 =	sld [smem:$0x3F9F]  }
0x1a: {  	s8 =	sadd.s32 $0xFFFFE003, lr  }
0x1b: {  	s9 =	sadd.s32 $0xFFFFFEF7, lr;
	s5 =	simm.s32 $0xFFFFFFFF;
	p2 =	slt.u32 s8, $0xFFFFF086  }
0x1c: {  	p1 =	slt.u32 s9, $0xF7A;
	s5 =	simm.s32 @!p2 $0x0  }
0x1d: {  	s5 =	simm.s32 @p1 $0x1;
	p0 =	seq.s32 s7, s2  }
0x1e: {  	s7 =	smul.u32 @!p0 $0xF7A, s2;
	p2 =	seq.s32 @!p0 s5, $0x0  }
0x1f: {  	s9 =	smul.u32 $0xF7A, s1;
	s8 =	simm.s32 @!p0 $0x1BF5;
	p2 =	por !p2, p0  }
0x20: {  	[sflag:s8] =	ssyncset.s32 @!p0 $0xFFFFF086;
	s6 =	sadd.s32 @!p0 s3, s7;
	s7 =	simm.s32 @!p0 $0x108  }
0x21: {  	s3 =	sadd.s32 s3, s9;
	s6 =	sadd.s32 @!p0 $0x88, s6;
	s7 =	simm.s32 @p2 $0x1082  }
0x22: {  	[simem:s7], [sflag:s8] =	dma.local @!p0 [hbm:s6], $0xF7A  }
0x23: {  	s9 =	sor.u32 $0xD0000000, s2;
	s6 =	simm.s32 $0x108;
	_ =	swait.ge @!p0 [sflag:s8], $0x0  }
0x24: {  	s3 =	sadd.s32 $0x88, s3;
	s6 =	simm.s32 @!p1 $0x1082;
	[sflag:s4] =	ssyncset.s32 $0xFFFFF086  }
0x25: {  	[simem:s6], [sflag:s4] =	dma.local [hbm:s3], $0xF7A  }
0x26: {  	[smem:$0x3F9F] =	sst s1;
	(tag) =	ssettag s2;
	_ =	strace s9  }
0x27: {  	s1 =	sld [smem:$0x3FAF]  }
0x28: {  	s2 =	sld [smem:$0x3FB0]  }
0x29: {  	s4 =	sld [smem:$0x3FB2]  }
0x2a: {  	p0 =	seq.s32 s5, $0x0;
	s5 =	sld [smem:$0x3FB3]  }
0x2b: {  	s6 =	sld [smem:$0x3FB4]  }
0x2c: {  	s7 =	sld [smem:$0x3FB5]  }
0x2d: {  	s3 =	simm.s32 $0x108;
	s8 =	sld [smem:$0x3FB6]  }
0x2e: {  	s3 =	simm.s32 @!p0 $0x1082;
	s9 =	sld [smem:$0x3FB7]  }
0x2f: {  	lr =	sadd.s32 s0, s3;
	s0 =	sld [smem:$0x3FAE]  }
0x30: {  	s3 =	sld [smem:$0x3FB1]  }
0x31: {  	[smem:$0x3FBA] =	sst s10  }
0x32: {  	s10 =	sld [smem:$0x3FB8];
	_ =	sdelay $0x3  }
0x33: {  	p0 =	seq.s32 s10, $0x1;
	s10 =	sld [smem:$0x3FBA];
	_ =	sdelay $0x3  }
0x34: {  	[smem:$0x3FBA] =	sst s10  }
0x35: {  	s10 =	sld [smem:$0x3FB9];
	_ =	sdelay $0x3  }
0x36: {  	p1 =	seq.s32 s10, $0x1;
	s10 =	sld [smem:$0x3FBA];
	_ =	sdelay $0x3  }
0x37: {  	[smem:$0x3FBA] =	sst s10  }
0x38: {  	s10 =	sld [smem:$0x3FBB]  }
0x39: {  	_ = 	snop;
	(pc) =	sbr.ind lr, $3  }
0x3a: {  	_ = 	snop  }
0x3b: {  	_ = 	snop  }
0x3c: {  	p2 =	seq.s32 s10, $0x1;
	s10 =	sld [smem:$0x3FBA]  }
0x3d: {  	_ =	shalt  }
0x3e: {  	_ =	shalt  }
0x3f: {  	_ =	shalt  }
0x40: {  	_ =	shalt  }
0x41: {  	_ =	shalt  }
0x42: {  	_ =	shalt  }
0x43: {  	_ =	shalt  }
0x44: {  	_ =	shalt  }
0x45: {  	_ =	shalt  }
0x46: {  	_ =	shalt  }
0x47: {  	_ =	shalt  }
0x48: {  	_ =	shalt  }
0x49: {  	_ =	shalt  }
0x4a: {  	_ =	shalt  }
0x4b: {  	_ =	shalt  }
0x4c: {  	_ =	shalt  }
0x4d: {  	_ =	shalt  }
0x4e: {  	_ =	shalt  }
0x4f: {  	_ =	shalt  }
0x50: {  	_ =	shalt  }
0x51: {  	_ =	shalt  }
0x52: {  	_ =	shalt  }
0x53: {  	_ =	shalt  }
0x54: {  	_ =	shalt  }
0x55: {  	_ =	shalt  }
0x56: {  	_ =	shalt  }
0x57: {  	_ =	shalt  }
0x58: {  	_ =	shalt  }
0x59: {  	_ =	shalt  }
0x5a: {  	_ =	shalt  }
0x5b: {  	_ =	shalt  }
0x5c: {  	_ =	shalt  }
0x5d: {  	_ =	shalt  }
0x5e: {  	_ =	shalt  }
0x5f: {  	_ =	shalt  }
0x60: {  	_ =	shalt  }
0x61: {  	_ =	shalt  }
0x62: {  	_ =	shalt  }
0x63: {  	_ =	shalt  }
0x64: {  	_ =	shalt  }
0x65: {  	_ =	shalt  }
0x66: {  	_ =	shalt  }
0x67: {  	_ =	shalt  }
0x68: {  	_ =	shalt  }
0x69: {  	_ =	shalt  }
0x6a: {  	_ =	shalt  }
0x6b: {  	_ =	shalt  }
0x6c: {  	_ =	shalt  }
0x6d: {  	_ =	shalt  }
0x6e: {  	_ =	shalt  }
0x6f: {  	_ =	shalt  }
0x70: {  	_ =	shalt  }
0x71: {  	_ =	shalt  }
0x72: {  	_ =	shalt  }
0x73: {  	_ =	shalt  }
0x74: {  	_ =	shalt  }
0x75: {  	_ =	shalt  }
0x76: {  	_ =	shalt  }
0x77: {  	_ =	shalt  }
0x78: {  	_ =	shalt  }
0x79: {  	_ =	shalt  }
0x7a: {  	_ =	shalt  }
0x7b: {  	_ =	shalt  }
0x7c: {  	_ =	shalt  }
0x7d: {  	_ =	shalt  }
0x7e: {  	_ =	shalt  }
0x7f: {  	_ =	shalt  }
0x80: {  	_ =	shalt  }
0x81: {  	_ =	shalt  }
0x82: {  	_ =	shalt  }
0x83: {  	_ =	shalt  }
0x84: {  	_ =	shalt  }
0x85: {  	_ =	shalt  }
0x86: {  	_ =	shalt  }
0x87: {  	_ =	shalt  }
.Lfunc_end0:
.L_simem_size_0:
called_computation_lowered:
.L_overlay_start_0:
0x88: {  	s2 =	sld [smem:$0x3FD9]  }
0x89: {  	s3 =	sld [smem:$0x3FFE];
	_ =	sdelay $0x1  }
0x8a: {  	s1 =	srdreg.scid  }
0x8b: {  	s0 =	sand.u32 $0x1, s1  }
0x8c: {  	s17 =	sshll.u32 s0, $0xA;
	s2 =	sadd.s32 s3, s2  }
0x8d: {  	s2 =	sadd.s32 s2, s17  }
0x8e: {  	[smem:$0x3FC6] =	sst s2  }
0x8f: {  	_ = 	snop  }
0x90: {  	s2 =	sld [smem:$0x3FC9]  }
0x91: {  	s18 =	sld [smem:$0x3FC8]  }
0x92: {  	s4 =	sld [smem:$0x3FD0];
	(tm) =	ssettm $0x1  }
0x93: {  	s5 =	sld [smem:$0x3FFB];
	_ =	sdelay $0x3  }
0x94: {  	_ =	strace s5  }
0x95: {  	s5 =	sld [smem:$0x3FFC];
	_ =	sdelay $0x3  }
0x96: {  	_ =	strace s5  }
0x97: {  	s5 =	sld [smem:$0x3FFD];
	_ =	sdelay $0x3  }
0x98: {  	_ =	strace s5  }
0x99: {  	_ =	strace $0x8FFFFFFF  }
0x9a: {  	s19 =	sld [smem:$0x3FDB];
	_ =	sdelay $0x1  }
0x9b: {  	s6 =	simm.s32 $_scs_section_size  }
0x9c: {  	s7 =	simm.s32 $_size__tile_overlayer_lowered;
	s8 =	simm.s32 $_tile_overlayer_lowered  }
0x9d: {  	s22 =	simm.s32 $0x1BFF;
	s21 =	sshll.u32 s8, $0x1;
	s5 =	sadd.s32 s6, s19  }
0x9e: {  	s9 =	simm.s32 $0x0;
	s20 =	sshll.u32 s7, $0x1;
	s7 =	sadd.s32 s21, s5  }
0x9f: {  	[timem:s9], [sflag:s22] =	dma.local [hbm:s7], s20  }
0xa0: {  	_ =	swait.ge [sflag:s22], s20  }
0xa1: {  	s6 =	ssub.s32 $0x0, s20;
	[sflag:s22] =	ssyncset.done $0x0  }
0xa2: {  	[sflag:s22] =	ssyncadd.s32 s6;
	_ =	sdelay $0x1  }
0xa3: {  	s23 =	simm.s32 $0x1B8B  }
0xa4: {  	_ =	swait.ge [sflag:s23], $0x1  }
0xa5: {  	[sflag:s23] =	ssyncset.done $0x0  }
0xa6: {  	s25 =	simm.s32 $0x1B8E;
	s24 =	sld [smem:$0x3FFE];
	[sflag:s23] =	ssyncadd.s32 $0xFFFFFFFF  }
0xa7: {  	s26 =	simm.s32 $execute0_lowered;
	[smem:$0x3FD2] =	sst s25  }
0xa8: {  	s7 =	sshll.u32 s26, $0x1;
	_ =	strace $0x80000046;
	[dreg:$0x1] =	wrdreg $0xFFFFFFFF  }
0xa9: {  	s28 =	simm.s32 $_size_execute0_lowered;
	s5 =	sadd.s32 s5, s7;
	[dreg:$0x0] =	wrdreg $0x0  }
0xaa: {  	s7 =	sshll.u32 s28, $0x1;
	[dreg:$0x2] =	wrdreg s5  }
0xab: {  	[dreg:$0x3] =	wrdreg s7  }
0xac: {  	[dreg:$0x4] =	wrdreg $0xC0  }
0xad: {  	_ =	task [dreg:s9], $0x5FFFF  }
0xae: {  	[dreg:$0x1] =	wrdreg $0xFFFFFFFF  }
0xaf: {  	[dreg:$0x0] =	wrdreg $0x60  }
0xb0: {  	[dreg:$0x2] =	wrdreg s18  }
0xb1: {  	[dreg:$0x3] =	wrdreg s2  }
0xb2: {  	[dreg:$0x4] =	wrdreg s24  }
0xb3: {  	[dreg:$0x5] =	wrdreg s4  }
0xb4: {  	[dreg:$0x6] =	wrdreg $0x9  }
0xb5: {  	_ =	task.clear_ibuf [dreg:s9], $0x7FFFF;
	_ =	strace $0x90000046  }
0xb6: {  	s29 =	simm.s32 $0x9;
	_ =	strace $0x80000048  }
0xb7: {  	_ =	swait.ge [sflag:s29], $0x1  }
0xb8: {  	[sflag:s29] =	ssyncadd.s32 $0xFFFFFFFF  }
0xb9: {  	_ =	strace $0x90000048  }
0xba: {  	_ =	sfence  }
0xbb: {  	s30 =	sld [smem:$0x0];
	_ =	sdelay $0x2  }
0xbc: {  	s31 =	sshll.u32 s1, $0xD;
	s1 =	sshrl.u32 s1, $0x2  }
0xbd: {  	s3 =	sand.u32 $0x4000, s31;
	s1 =	sadd.s32 s1, s30  }
0xbe: {  	s0 =	sor.u32 s3, s0;
	s1 =	sshll.u32 s1, $0x11  }
0xbf: {  	s0 =	sor.u32 s1, s0  }
0xc0: {  	s0 =	sadd.s32 $0x8F2B, s0  }
0xc1: {  	[sflag:s0] =	ssyncadd.remote.s32 $0x1  }
0xc2: {  	_ =	sfence.sel $0xFFFF  }
0xc3: {  	[dreg:$0x0] =	wrdreg $0xFFFFFFFF;
	(pc) =	sbr.abs _section_cstart, $3  }
0xc4: {  	[dreg:$0x1] =	wrdreg $0xFFFFFFFF  }
0xc5: {  	_ =	task.clear_ibuf [dreg:s9], $0x2FFFF;
	_ =	strace $0x9FFFFFFF  }
0xc6: {  	(tm) =	ssettm $0x7FFFFFFF  }
0xc7: {  	_ =	shalt  }
tec
execute0_lowered:
.L_overlay_start_1:
0x0: {  	(tag) =	ssettag $0x1  }
0x1: {  	s1 =	rddreg [dreg:$0x0]  }
0x2: {  	s0 =	rddreg [dreg:$0x2];
	s5 =	simm.s32 $0x0;
	s3 =	srdreg.scid  }
0x3: {  	s4 =	stileid.u32;
	s19 =	simm.s32 $0x80;
	s20 =	simm.s32 $0x400  }
0x4: {  	s29 =	simm.s32 $0x2;
	s30 =	simm.s32 $0x4;
	s31 =	simm.s32 $0x5  }
0x5: {  	s3 =	sand.u32 $0x1, s3;
	s11 =	sshrl.u32 s4, $0x2;
	s7 =	sshll.u32 s4, $0x8  }
0x6: {  	[smem:$0x7FF] =	sst s5;
	s9 =	sadd.s32 $0x400, s0;
	s21 =	smul.u32 $0xC3800, s11  }
0x7: {  	s8 =	sshll.u32 s3, $0x7;
	s7 =	sand.u32 $0x300, s7;
	_ =	strace $0x80000047  }
0x8: {  	s3 =	ssub.s32 $0x2, s3;
	s28 =	sshll.u32 s11, $0xA;
	s11 =	sshll.u32 s11, $0x11  }
0x9: {  	s6 =	sor.u32 s8, s7;
	s22 =	sshrl.u32 s3, $0x1;
	[dreg:$0x5] =	wrdreg s21  }
0xa: {  	s2 =	sor.u32 s21, s6;
	s0 =	ssub.s32 s3, s22;
	s25 =	sor.u32 $0x41400, s6  }
0xb: {  	s26 =	sor.u32 $0x82800, s6;
	s17 =	sor.u32 s6, s28;
	s18 =	sor.u32 s6, s11  }
0xc: {  	s22 =	simm.s32 $0x8280;
	s4 =	sadd.s32 $0x41400, s2;
	[dreg:$0x9] =	wrdreg s25  }
0xd: {  	s23 =	sshrl.u32 s2, $0x3;
	[dreg:$0xa] =	wrdreg s26;
	s15 =	smov.u32 s2  }
0xe: {  	s2 =	sadd.s32 $0x82800, s2;
	s0 =	smax.u32 s0, $0x1;
	[dreg:$0x6] =	wrdreg s4  }
0xf: {  	v1 =	vimm.s32 $0x0;
	vm0 =	vcmask $0x300;
	v0 =	vlaneseq.u32;
	s25 =	simm.s32 $0x1;
	s26 =	simm.s32 $0x18500;
	[dreg:$0xb] =	wrdreg s2  }
0x10: {  	v1 =	vsel vm0, $0x7, v1;
	v2 =	vor.u32 $0x10, v0;
	s12 =	sshrl.u32 s4, $0x3;
	s3 =	sadd.s32 s1, s23;
	[dreg:$0xc] =	wrdreg s0  }
0x11: {  	v3 =	vor.u32 $0x20, v0;
	v4 =	vor.u32 $0x30, v0;
	v5 =	vor.u32 $0x40, v0;
	s2 =	smov.u32 s6;
	[dreg:$0x7] =	wrdreg s3;
	s24 =	sadd.s32 s1, s12  }
0x12: {  	v6 =	vor.u32 $0x50, v0;
	v7 =	vor.u32 $0x60, v0;
	v8 =	vor.u32 $0x70, v0;
	s23 =	simm.s32 $0x3;
	s3 =	simm.s32 $0x0;
	[dreg:$0x8] =	wrdreg s24  }
.LBB2_1:
0x13: {  	[dreg:$0xd] =	wrdreg s3  }
0x14: {  	s0 =	rddreg [dreg:$0x1];
	s21 =	simm.s32 $0x10500  }
0x15: {  	[tilespmem:s21], [sflag:$0x3] =	stream.strided.gather [hbm4b:s0+s19], $0x4000, s20, s19, $0x38;
	[tilespmem:$0x1C500] =	vst v63  }
0x16: {  	s24 =	rddreg [dreg:$0x7]  }
0x17: {  	[tilespmem:s5], [sflag:$0x1] =	stream.strided.gather [hbm4b:s24+s19], $0x8280, s20, s19, $0x38;
	[tilespmem:$0x1C500] =	vst v63  }
0x18: {  	s28 =	rddreg [dreg:$0x8];
	s21 =	simm.s32 $0x0  }
0x19: {  	[tilespmem:s22], [sflag:$0x2] =	stream.strided.gather [hbm4b:s28+s19], $0x8280, s20, s19, $0x38;
	[tilespmem:$0x1C500] =	vst v63  }
.LBB2_2:
0x1a: {  	_ =	swait.ge [sflag:s23], $0x4000  }
0x1b: {  	s11 =	sshllo.u32 s21, $0x1;
	s3 =	sshll.u32 s21, $0xC;
	[sflag:s23] =	ssyncset.done $0x0  }
0x1c: {  	s3 =	sand.u32 $0xC000, s3;
	s12 =	sshll.u32 s11, $0x4;
	s0 =	rddreg [dreg:$0x1]  }
0x1d: {  	s4 =	simm.s32 $0x14500;
	s12 =	sand.u32 $0x70, s12;
	s3 =	sadd.s32 s0, s3  }
0x1e: {  	p0 =	seq.s32 s21, $0x0;
	[sflag:s23] =	ssyncadd.s32 $0xFFFFC000;
	s3 =	sadd.s32 s12, s3  }
0x1f: {  	[tilespmem:s4], [sflag:$0x4] =	stream.strided.gather [hbm4b:s3+s19], $0x4000, s20, s19, $0x38;
	[tilespmem:$0x1C500] =	vst v63  }
0x20: {  	s3 =	simm.s32 @!p0 $0x5  }
0x21: {  	_ =	swait.ge @!p0 [sflag:s3], $0x4000  }
0x22: {  	[sflag:s3] =	ssyncset.done @!p0 $0x0  }
0x23: {  	[sflag:s3] =	ssyncadd.s32 @!p0 $0xFFFFC000  }
0x24: {  	_ =	swait.ge [sflag:s25], $0x8280  }
0x25: {  	[sflag:s25] =	ssyncset.done $0x0  }
0x26: {  	s6 =	simm.s32 $0x10580;
	[sflag:s25] =	ssyncadd.s32 $0xFFFF7D80  }
0x27: {  	v9 =	vld [tilespmem:s6+$0x70]  }
0x28: {  	v10 =	vld [tilespmem:s6+$0xFFFFFF80]  }
0x29: {  	v14 =	vld [tilespmem:s6+$0xFFFFFF90]  }
0x2a: {  	v16 =	vld [tilespmem:s6+$0xFFFFFFA0]  }
0x2b: {  	s16 =	simm.s32 $0x80;
	s24 =	simm.s32 $0x90;
	v17 =	vld [tilespmem:s6+$0xFFFFFFB0]  }
0x2c: {  	s7 =	simm.s32 $0x0;
	s8 =	simm.s32 $0xA0;
	s14 =	simm.s32 $0xE0;
	v15 =	vmov s16;
	v19 =	vmov s24;
	v20 =	vld [tilespmem:s6+$0xFFFFFFC0]  }
0x2d: {  	v24 =	vmov s7;
	v28 =	vmov s8;
	v34 =	vmov s14;
	v21 =	vld [tilespmem:s6+$0xFFFFFFD0]  }
0x2e: {  	v24 =	vshrl.u32 v24, $0x7;
	v15 =	vshrl.u32 v15, $0x7;
	v19 =	vshrl.u32 v19, $0x7;
	v22 =	vld [tilespmem:s6+$0xFFFFFFE0]  }
0x2f: {  	v28 =	vshrl.u32 v28, $0x7;
	v34 =	vshrl.u32 v34, $0x7;
	v24 =	vshll.u32 v24, v1;
	v23 =	vld [tilespmem:s6+$0xFFFFFFF0]  }
0x30: {  	v15 =	vshll.u32 v15, v1;
	v19 =	vshll.u32 v19, v1;
	v28 =	vshll.u32 v28, v1;
	v27 =	vld [tilespmem:s6+$0x0]  }
0x31: {  	v34 =	vshll.u32 v34, v1;
	v49 =	vbroadcast v24, $0x0;
	v37 =	vld [tilespmem:s6+$0x10];
	v11 =	vmin.u32 v9, $0x827F  }
0x32: {  	v50 =	vbroadcast v15, $0x0;
	v52 =	vbroadcast v19, $0x0;
	v38 =	vld [tilespmem:s6+$0x20];
	v12 =	vmin.u32 v10, $0x827F  }
0x33: {  	s10 =	simm.s32 $0xB0;
	v28 =	vbroadcast v28, $0x0;
	v24 =	vbroadcast v34, $0x0;
	v39 =	vld [tilespmem:s6+$0x30];
	v13 =	vmin.u32 v14, $0x827F  }
0x34: {  	v40 =	vld [tilespmem:s6+$0x40];
	v25 =	vmin.u32 v17, $0x827F;
	vm1 =	vlt.u32 v9, $0x8280;
	v9 =	vmov s10  }
0x35: {  	v53 =	vor.u32 v0, v49;
	s3 =	simm.s32 $0xF0;
	v26 =	vmin.u32 v20, $0x827F;
	v36 =	vshrl.u32 v9, $0x7;
	v9 =	vld [tilespmem:s6+$0x60]  }
0x36: {  	vm0 =	vlt.u32 v10, $0x8280;
	v10 =	vmov s3;
	v30 =	vmin.u32 v21, $0x827F;
	v29 =	vld.idx.msk [tilespmem:v11+s5+$0x0], $0xffff  }
0x37: {  	v55 =	vor.u32 v2, v49;
	v34 =	vor.u32 v6, v49;
	v10 =	vshrl.u32 v10, $0x7;
	v44 =	vld.idx.msk [tilespmem:v12+s5+$0x0], $0xffff  }
0x38: {  	v18 =	vmin.u32 v16, $0x827F;
	v32 =	vmin.u32 v22, $0x827F;
	v10 =	vshll.u32 v10, v1;
	v46 =	vld.idx.msk [tilespmem:v13+s5+$0x0], $0xffff  }
0x39: {  	v33 =	vmin.u32 v23, $0x827F;
	v35 =	vmin.u32 v27, $0x827F;
	v10 =	vbroadcast v10, $0x0;
	v12 =	vld.idx.msk [tilespmem:v25+s5+$0x0], $0xffff  }
0x3a: {  	s13 =	simm.s32 $0xC0;
	v42 =	vmin.u32 v37, $0x827F;
	v45 =	vmin.u32 v38, $0x827F;
	v47 =	vmin.u32 v39, $0x827F;
	v13 =	vld.idx.msk [tilespmem:v26+s5+$0x0], $0xffff  }
0x3b: {  	vm2 =	vlt.u32 v14, $0x8280;
	v31 =	vor.u32 v8, v10;
	v10 =	vmov s13;
	v14 =	vld.idx.msk [tilespmem:v30+s5+$0x0], $0xffff  }
0x3c: {  	v48 =	vmin.u32 v40, $0x827F;
	vm8 =	vlt.u32 v16, $0x8280;
	v41 =	vshrl.u32 v10, $0x7;
	v10 =	vld [tilespmem:s6+$0x50]  }
0x3d: {  	vm5 =	vlt.u32 v17, $0x8280;
	vm6 =	vlt.u32 v20, $0x8280;
	vm9 =	vlt.u32 v21, $0x8280;
	v15 =	vld.idx.msk [tilespmem:v32+s5+$0x0], $0xffff  }
0x3e: {  	vm10 =	vlt.u32 v22, $0x8280;
	vm11 =	vlt.u32 v23, $0x8280;
	vm7 =	vlt.u32 v27, $0x8280;
	v19 =	vld.idx.msk [tilespmem:v35+s5+$0x0], $0xffff  }
0x3f: {  	s28 =	simm.s32 $0xD0;
	vm3 =	vlt.u32 v37, $0x8280;
	v27 =	vor.u32 v3, v28;
	vm4 =	vlt.u32 v39, $0x8280;
	v16 =	vld.idx.msk [tilespmem:v42+s5+$0x0], $0xffff  }
0x40: {  	v11 =	vmov s28;
	v32 =	vor.u32 v4, v49;
	v17 =	vld.idx.msk [tilespmem:v45+s5+$0x0], $0xffff;
	v51 =	vmin.u32 v9, $0x827F  }
0x41: {  	v43 =	vshrl.u32 v11, $0x7;
	v11 =	vld.idx.msk [tilespmem:v18+s5+$0x0], $0xffff;
	v18 =	vshll.u32 v36, v1;
	v63 =	vmin.u32 v10, $0x827F  }
0x42: {  	v30 =	vor.u32 v5, v49;
	v54 =	vbroadcast v18, $0x0;
	v18 =	vld.idx.msk [tilespmem:v33+s5+$0x0], $0xffff;
	v33 =	vor.u32 v3, v49  }
0x43: {  	v35 =	vor.u32 v8, v49;
	v20 =	vld.idx.msk [tilespmem:v47+s5+$0x0], $0xffff;
	v62 =	vshll.u32 v41, v1;
	v43 =	vshll.u32 v43, v1  }
0x44: {  	v21 =	vld.idx.msk [tilespmem:v48+s5+$0x0], $0xffff;
	v36 =	vor.u32 v7, v49;
	v25 =	vbroadcast v62, $0x0;
	v26 =	vbroadcast v43, $0x0;
	[tilespmem:v31+s26+$0x0] =	vst.idx.msk vm1, v29  }
0x45: {  	v28 =	vor.u32 v4, v54;
	[tilespmem:v53+s26+$0x0] =	vst.idx.msk vm0, v44;
	v31 =	vor.u32 v0, v50;
	v23 =	vld.idx.msk [tilespmem:v51+s5+$0x0], $0xffff  }
0x46: {  	s16 =	simm.s32 $0x0;
	s24 =	simm.s32 $0x10680;
	s12 =	sshll.u32 s21, $0x1;
	v29 =	vor.u32 v2, v52;
	vm1 =	vlt.u32 v38, $0x8280;
	[tilespmem:v55+s26+$0x0] =	vst.idx.msk vm2, v46;
	vm2 =	vlt.u32 v40, $0x8280;
	v22 =	vld.idx.msk [tilespmem:v63+s5+$0x0], $0xffff  }
.LBB2_3:
0x47: {  	v37 =	vld [tilespmem:s24+$0x70];
	s16 =	sadd.s32 $0x10, s16;
	[tilespmem:v33+s26+$0x0] =	vst.idx.msk vm8, v11;
	v11 =	vor.u32 v5, v25;
	vm8 =	vlt.u32 v10, $0x8280;
	v10 =	vor.u32 v6, v26  }
0x48: {  	v25 =	vld [tilespmem:s24+$0xFFFFFF80];
	p0 =	slt.u32 s16, $0x3F0;
	[tilespmem:v32+s26+$0x0] =	vst.idx.msk vm5, v12;
	vm5 =	vlt.u32 v9, $0x8280;
	v9 =	vor.u32 v7, v24  }
0x49: {  	v24 =	vld [tilespmem:s24+$0xFFFFFF90];
	[tilespmem:v30+s26+$0x0] =	vst.idx.msk vm6, v13  }
0x4a: {  	v30 =	vld [tilespmem:s24+$0xFFFFFFA0];
	[tilespmem:v34+s26+$0x0] =	vst.idx.msk vm9, v14  }
0x4b: {  	v32 =	vld [tilespmem:s24+$0xFFFFFFB0];
	[tilespmem:v36+s26+$0x0] =	vst.idx.msk vm10, v15  }
0x4c: {  	s3 =	sadd.s32 $0x100, s3;
	v34 =	vld [tilespmem:s24+$0xFFFFFFC0];
	v12 =	vmin.u32 v37, $0x827F;
	[tilespmem:v35+s26+$0x0] =	vst.idx.msk vm11, v18  }
0x4d: {  	s28 =	sadd.s32 $0xFFFFFF90, s3;
	s0 =	sadd.s32 $0xFFFFFFA0, s3;
	s4 =	sadd.s32 $0xFFFFFFB0, s3;
	v14 =	vmov s3;
	vm0 =	vlt.u32 v25, $0x8280;
	v13 =	vmin.u32 v25, $0x827F;
	v35 =	vld [tilespmem:s24+$0xFFFFFFD0];
	[tilespmem:v31+s26+$0x0] =	vst.idx.msk vm7, v19  }
0x4e: {  	s6 =	sadd.s32 $0xFFFFFFD0, s3;
	s10 =	sadd.s32 $0xFFFFFFE0, s3;
	v14 =	vshrl.u32 v14, $0x7;
	v18 =	vmov s28;
	s28 =	sadd.s32 $0xFFFFFFC0, s3;
	v15 =	vmin.u32 v24, $0x827F;
	v31 =	vld [tilespmem:s24+$0xFFFFFFE0];
	[tilespmem:v29+s26+$0x0] =	vst.idx.msk vm3, v16  }
0x4f: {  	s8 =	sadd.s32 $0xFFFFFF10, s3;
	v14 =	vshll.u32 v14, v1;
	v19 =	vmov s0;
	s0 =	sadd.s32 $0xFFFFFFF0, s3;
	v16 =	vmin.u32 v30, $0x827F;
	v29 =	vld [tilespmem:s24+$0xFFFFFFF0];
	[tilespmem:v27+s26+$0x0] =	vst.idx.msk vm1, v17  }
0x50: {  	v14 =	vbroadcast v14, $0x0;
	v17 =	vmov s8;
	v25 =	vmin.u32 v32, $0x827F;
	v27 =	vld [tilespmem:s24+$0x0];
	[tilespmem:v28+s26+$0x0] =	vst.idx.msk vm4, v20  }
0x51: {  	v26 =	vmov s4;
	vm1 =	vlt.u32 v37, $0x8280;
	v20 =	vmin.u32 v34, $0x827F;
	v12 =	vld.idx.msk [tilespmem:v12+s5+$0x0], $0xffff;
	[tilespmem:v11+s26+$0x0] =	vst.idx.msk vm2, v21  }
0x52: {  	v14 =	vor.u32 v8, v14;
	v11 =	vmov s28;
	v21 =	vmin.u32 v35, $0x827F;
	v28 =	vld [tilespmem:s24+$0x10];
	[tilespmem:v10+s26+$0x0] =	vst.idx.msk vm8, v22  }
0x53: {  	v33 =	vmov s10;
	v10 =	vmov s6;
	v22 =	vmin.u32 v31, $0x827F;
	v37 =	vld [tilespmem:s24+$0x20];
	[tilespmem:v9+s26+$0x0] =	vst.idx.msk vm5, v23  }
0x54: {  	v36 =	vmov s0;
	v17 =	vshrl.u32 v17, $0x7;
	v23 =	vmin.u32 v29, $0x827F;
	v38 =	vld [tilespmem:s24+$0x30]  }
0x55: {  	v18 =	vshrl.u32 v18, $0x7;
	v19 =	vshrl.u32 v19, $0x7;
	v39 =	vmin.u32 v27, $0x827F;
	v40 =	vld [tilespmem:s24+$0x40]  }
0x56: {  	v26 =	vshrl.u32 v26, $0x7;
	v41 =	vshrl.u32 v11, $0x7;
	v42 =	vshrl.u32 v10, $0x7;
	v10 =	vld [tilespmem:s24+$0x50]  }
0x57: {  	v33 =	vshrl.u32 v33, $0x7;
	v36 =	vshrl.u32 v36, $0x7;
	v43 =	vmin.u32 v28, $0x827F;
	v9 =	vld [tilespmem:s24+$0x60];
	[tilespmem:v14+s26+$0x0] =	vst.idx.msk vm1, v12  }
0x58: {  	v14 =	vshll.u32 v18, v1;
	v44 =	vld.idx.msk [tilespmem:v13+s5+$0x0], $0xffff;
	v13 =	vshll.u32 v17, v1;
	v17 =	vmin.u32 v37, $0x827F  }
0x59: {  	v18 =	vshll.u32 v26, v1;
	v45 =	vld.idx.msk [tilespmem:v15+s5+$0x0], $0xffff;
	v15 =	vshll.u32 v19, v1;
	v46 =	vmin.u32 v38, $0x827F  }
0x5a: {  	v19 =	vshll.u32 v42, v1;
	v11 =	vld.idx.msk [tilespmem:v16+s5+$0x0], $0xffff;
	v16 =	vshll.u32 v41, v1;
	v41 =	vmin.u32 v40, $0x827F  }
0x5b: {  	v26 =	vshll.u32 v33, v1;
	v33 =	vshll.u32 v36, v1;
	v12 =	vld.idx.msk [tilespmem:v25+s5+$0x0], $0xffff;
	v42 =	vmin.u32 v10, $0x827F  }
0x5c: {  	v48 =	vbroadcast v14, $0x0;
	v47 =	vbroadcast v13, $0x0;
	v13 =	vld.idx.msk [tilespmem:v20+s5+$0x0], $0xffff;
	v49 =	vmin.u32 v9, $0x827F  }
0x5d: {  	vm2 =	vlt.u32 v24, $0x8280;
	v51 =	vbroadcast v18, $0x0;
	v50 =	vbroadcast v15, $0x0;
	v14 =	vld.idx.msk [tilespmem:v21+s5+$0x0], $0xffff  }
0x5e: {  	v52 =	vbroadcast v16, $0x0;
	v25 =	vbroadcast v19, $0x0;
	v21 =	vor.u32 v0, v47;
	v15 =	vld.idx.msk [tilespmem:v22+s5+$0x0], $0xffff  }
0x5f: {  	v26 =	vbroadcast v26, $0x0;
	v24 =	vbroadcast v33, $0x0;
	v53 =	vor.u32 v2, v47;
	v18 =	vld.idx.msk [tilespmem:v23+s5+$0x0], $0xffff  }
0x60: {  	vm8 =	vlt.u32 v30, $0x8280;
	vm5 =	vlt.u32 v32, $0x8280;
	v33 =	vor.u32 v3, v47;
	v19 =	vld.idx.msk [tilespmem:v39+s5+$0x0], $0xffff  }
0x61: {  	vm6 =	vlt.u32 v34, $0x8280;
	v32 =	vor.u32 v4, v47;
	v30 =	vor.u32 v5, v47;
	v16 =	vld.idx.msk [tilespmem:v43+s5+$0x0], $0xffff  }
.Ltmp0:
0x62: {  	vm9 =	vlt.u32 v35, $0x8280;
	vm10 =	vlt.u32 v31, $0x8280;
	v34 =	vor.u32 v6, v47;
	v17 =	vld.idx.msk [tilespmem:v17+s5+$0x0], $0xffff;
	(pc) =	sbr.rel @p0 .LBB2_3-.Ltmp0, $4  }
0x63: {  	vm11 =	vlt.u32 v29, $0x8280;
	v36 =	vor.u32 v7, v47;
	v35 =	vor.u32 v8, v47;
	v20 =	vld.idx.msk [tilespmem:v46+s5+$0x0], $0xffff  }
0x64: {  	vm7 =	vlt.u32 v27, $0x8280;
	vm3 =	vlt.u32 v28, $0x8280;
	v31 =	vor.u32 v0, v48;
	[tilespmem:v21+s26+$0x0] =	vst.idx.msk vm0, v44;
	v21 =	vld.idx.msk [tilespmem:v41+s5+$0x0], $0xffff  }
0x65: {  	vm1 =	vlt.u32 v37, $0x8280;
	v27 =	vor.u32 v3, v51;
	v29 =	vor.u32 v2, v50;
	v22 =	vld.idx.msk [tilespmem:v42+s5+$0x0], $0xffff  }
0x66: {  	s24 =	sadd.s32 $0x100, s24;
	vm4 =	vlt.u32 v38, $0x8280;
	v28 =	vor.u32 v4, v52;
	[tilespmem:v53+s26+$0x0] =	vst.idx.msk vm2, v45;
	vm2 =	vlt.u32 v40, $0x8280;
	v23 =	vld.idx.msk [tilespmem:v49+s5+$0x0], $0xffff  }
0x67: {  	_ =	sdelay $0x4  }
0x68: {  	[tilespmem:v33+s26+$0x0] =	vst.idx.msk vm8, v11  }
0x69: {  	[tilespmem:v32+s26+$0x0] =	vst.idx.msk vm5, v12  }
0x6a: {  	[tilespmem:v30+s26+$0x0] =	vst.idx.msk vm6, v13  }
0x6b: {  	[tilespmem:v34+s26+$0x0] =	vst.idx.msk vm9, v14  }
0x6c: {  	[tilespmem:v36+s26+$0x0] =	vst.idx.msk vm10, v15  }
0x6d: {  	v11 =	vor.u32 v5, v25;
	[tilespmem:v35+s26+$0x0] =	vst.idx.msk vm11, v18  }
0x6e: {  	[tilespmem:v31+s26+$0x0] =	vst.idx.msk vm7, v19  }
0x6f: {  	vm0 =	vlt.u32 v10, $0x8280;
	[tilespmem:v29+s26+$0x0] =	vst.idx.msk vm3, v16  }
0x70: {  	v10 =	vor.u32 v6, v26;
	vm5 =	vlt.u32 v9, $0x8280;
	[tilespmem:v27+s26+$0x0] =	vst.idx.msk vm1, v17  }
0x71: {  	v9 =	vor.u32 v7, v24;
	[tilespmem:v28+s26+$0x0] =	vst.idx.msk vm4, v20  }
0x72: {  	s0 =	smul.u32 $0x61C000, s21;
	[tilespmem:v11+s26+$0x0] =	vst.idx.msk vm2, v21  }
0x73: {  	s3 =	rddreg [dreg:$0xb]  }
0x74: {  	s0 =	sadd.s32 s3, s0  }
0x75: {  	[tilespmem:v10+s26+$0x0] =	vst.idx.msk vm0, v22;
	s0 =	sshrl.u32 s0, $0x3  }
0x76: {  	s4 =	sshll.u32 s21, $0xD;
	[tilespmem:v9+s26+$0x0] =	vst.idx.msk vm5, v23;
	s0 =	sadd.s32 s1, s0  }
0x77: {  	[tilespmem:s5], [sflag:$0x1] =	stream.strided.gather [hbm4b:s0+s19], $0x8180, s20, s19, $0x38;
	[tilespmem:$0x1C500] =	vst v63  }
0x78: {  	s0 =	sor.u32 s17, s4  }
0x79: {  	s0 =	sshrl.u32 s0, $0x3  }
0x7a: {  	s6 =	simm.s32 $0x8180;
	s0 =	sadd.s32 s9, s0  }
0x7b: {  	[tilespmem:s6], [sflag:$0x1] =	stream.linear.gather [hbm4b:s0+s5], $0x80, $0x38;
	[tilespmem:$0x1C500] =	vst v63  }
0x7c: {  	_ =	swait.ge [sflag:s29], $0x8280  }
0x7d: {  	[sflag:s29] =	ssyncset.done $0x0  }
0x7e: {  	s7 =	simm.s32 $0x10580;
	[sflag:s29] =	ssyncadd.s32 $0xFFFF7D80  }
0x7f: {  	v9 =	vld [tilespmem:s7+$0x70]  }
0x80: {  	v10 =	vld [tilespmem:s7+$0xFFFFFF80]  }
0x81: {  	v11 =	vld [tilespmem:s7+$0xFFFFFF90]  }
0x82: {  	s16 =	simm.s32 $0xF0;
	v12 =	vld [tilespmem:s7+$0xFFFFFFA0]  }
0x83: {  	v19 =	vmov s16;
	v13 =	vld [tilespmem:s7+$0xFFFFFFB0]  }
0x84: {  	v19 =	vshrl.u32 v19, $0x7;
	v14 =	vld [tilespmem:s7+$0xFFFFFFC0]  }
0x85: {  	v19 =	vshll.u32 v19, v1;
	v15 =	vld [tilespmem:s7+$0xFFFFFFD0]  }
0x86: {  	s14 =	simm.s32 $0xA0;
	s24 =	simm.s32 $0xC0;
	v19 =	vbroadcast v19, $0x0;
	v29 =	vld [tilespmem:s7+$0x50]  }
0x87: {  	s8 =	simm.s32 $0xD0;
	v31 =	vmov s14;
	v42 =	vmov s24;
	s6 =	simm.s32 $0xB0  }
0x88: {  	v43 =	vmov s8;
	v59 =	vor.u32 v8, v19;
	v39 =	vmov s6  }
0x89: {  	v9 =	vadd.s32 $0xFFFF7D80, v9;
	v10 =	vadd.s32 $0xFFFF7D80, v10;
	v18 =	vadd.s32 $0xFFFF7D80, v11  }
0x8a: {  	s10 =	simm.s32 $0x0;
	v11 =	vld [tilespmem:s7+$0xFFFFFFE0];
	v22 =	vadd.s32 $0xFFFF7D80, v12;
	v23 =	vadd.s32 $0xFFFF7D80, v13;
	v56 =	vadd.s32 $0xFFFF7D80, v14  }
0x8b: {  	v12 =	vld [tilespmem:s7+$0xFFFFFFF0];
	v57 =	vadd.s32 $0xFFFF7D80, v15;
	v15 =	vmov s10;
	v50 =	vadd.s32 $0xFFFF7D80, v29  }
0x8c: {  	v13 =	vld [tilespmem:s7+$0x0];
	v29 =	vshrl.u32 v31, $0x7;
	v31 =	vshrl.u32 v39, $0x7;
	v16 =	vmin.u32 v9, $0x827F  }
0x8d: {  	v14 =	vld [tilespmem:s7+$0x10];
	v17 =	vmin.u32 v10, $0x827F;
	v20 =	vmin.u32 v18, $0x827F;
	v21 =	vmin.u32 v22, $0x827F  }
0x8e: {  	v24 =	vmin.u32 v23, $0x827F;
	v25 =	vmin.u32 v56, $0x827F;
	vm0 =	vlt.u32 v9, $0x8280;
	v9 =	vld [tilespmem:s7+$0x20]  }
0x8f: {  	v40 =	vld [tilespmem:s7+$0x60];
	v26 =	vmin.u32 v57, $0x827F;
	vm7 =	vlt.u32 v10, $0x8280;
	v51 =	vmin.u32 v50, $0x827F  }
0x90: {  	vm9 =	vlt.u32 v18, $0x8280;
	vm14 =	vlt.u32 v22, $0x8280;
	v58 =	vadd.s32 $0xFFFF7D80, v11;
	v11 =	vld [tilespmem:s7+$0x30]  }
0x91: {  	s4 =	simm.s32 $0x80;
	vm13 =	vlt.u32 v23, $0x8280;
	vm12 =	vlt.u32 v56, $0x8280;
	v37 =	vadd.s32 $0xFFFF7D80, v13;
	v13 =	vld [tilespmem:s7+$0x40]  }
0x92: {  	s13 =	simm.s32 $0x90;
	vm11 =	vlt.u32 v57, $0x8280;
	v60 =	vadd.s32 $0xFFFF7D80, v12;
	v12 =	vmov s4;
	v44 =	vld.idx.msk [tilespmem:v16+s22+$0x0], $0xffff  }
0x93: {  	v38 =	vadd.s32 $0xFFFF7D80, v14;
	v14 =	vmov s13;
	v41 =	vadd.s32 $0xFFFF7D80, v9;
	v9 =	vld.idx.msk [tilespmem:v24+s22+$0x0], $0xffff  }
0x94: {  	s28 =	simm.s32 $0xE0;
	v19 =	vmin.u32 v58, $0x827F;
	v27 =	vmin.u32 v60, $0x827F;
	v28 =	vmin.u32 v37, $0x827F;
	v10 =	vld.idx.msk [tilespmem:v25+s22+$0x0], $0xffff  }
0x95: {  	v30 =	vmin.u32 v38, $0x827F;
	v16 =	vmov s28;
	v46 =	vadd.s32 $0xFFFF7D80, v11;
	v11 =	vld.idx.msk [tilespmem:v17+s22+$0x0], $0xffff  }
0x96: {  	v24 =	vadd.s32 $0xFFFF7D80, v40;
	v25 =	vshrl.u32 v42, $0x7;
	v17 =	vshrl.u32 v15, $0x7;
	v15 =	vld.idx.msk [tilespmem:v20+s22+$0x0], $0xffff  }
0x97: {  	vm10 =	vlt.u32 v58, $0x8280;
	vm6 =	vlt.u32 v60, $0x8280;
	v48 =	vadd.s32 $0xFFFF7D80, v13;
	v13 =	vld.idx.msk [tilespmem:v21+s22+$0x0], $0xffff  }
0x98: {  	v45 =	vmin.u32 v41, $0x827F;
	v61 =	vmin.u32 v24, $0x827F;
	v20 =	vshrl.u32 v12, $0x7;
	v12 =	vld.idx.msk [tilespmem:v26+s22+$0x0], $0xffff  }
0x99: {  	v62 =	vshrl.u32 v16, $0x7;
	v21 =	vshrl.u32 v14, $0x7;
	v26 =	vshrl.u32 v43, $0x7;
	v14 =	vld.idx.msk [tilespmem:v19+s22+$0x0], $0xffff  }
0x9a: {  	v47 =	vmin.u32 v46, $0x827F;
	v16 =	vshll.u32 v17, v1;
	v19 =	vshll.u32 v21, v1;
	v18 =	vld.idx.msk [tilespmem:v27+s22+$0x0], $0xffff  }
0x9b: {  	v21 =	vshll.u32 v31, v1;
	v31 =	vshll.u32 v25, v1;
	v25 =	vbroadcast v16, $0x0;
	v16 =	vld.idx.msk [tilespmem:v28+s22+$0x0], $0xffff  }
0x9c: {  	v49 =	vmin.u32 v48, $0x827F;
	v63 =	vshll.u32 v26, v1;
	v26 =	vbroadcast v19, $0x0;
	v19 =	vld.idx.msk [tilespmem:v30+s22+$0x0], $0xffff  }
0x9d: {  	v17 =	vshll.u32 v20, v1;
	v20 =	vshll.u32 v29, v1;
	v28 =	vbroadcast v21, $0x0;
	v21 =	vld.idx.msk [tilespmem:v45+s22+$0x0], $0xffff  }
0x9e: {  	vm5 =	vlt.u32 v37, $0x8280;
	vm4 =	vlt.u32 v38, $0x8280;
	v29 =	vbroadcast v20, $0x0;
	v20 =	vld.idx.msk [tilespmem:v51+s22+$0x0], $0xffff  }
0x9f: {  	vm3 =	vlt.u32 v41, $0x8280;
	vm2 =	vlt.u32 v46, $0x8280;
	vm1 =	vlt.u32 v48, $0x8280;
	v23 =	vld.idx.msk [tilespmem:v61+s22+$0x0], $0xffff  }
0xa0: {  	v27 =	vbroadcast v17, $0x0;
	v17 =	vshll.u32 v62, v1;
	v31 =	vbroadcast v31, $0x0;
	v22 =	vld.idx.msk [tilespmem:v47+s22+$0x0], $0xffff  }
0xa1: {  	s24 =	simm.s32 $0x10680;
	s3 =	simm.s32 $0x0;
	[tilespmem:v59+s26+$0x0] =	vst.idx.msk vm0, v44;
	vm0 =	vlt.u32 v50, $0x8280;
	v30 =	vbroadcast v63, $0x0;
	v32 =	vbroadcast v17, $0x0;
	v17 =	vld.idx.msk [tilespmem:v49+s22+$0x0], $0xffff  }
.LBB2_5:
0xa2: {  	v33 =	vld [tilespmem:s24+$0x70];
	s3 =	sadd.s32 $0x10, s3;
	v34 =	vor.u32 v0, v25;
	v35 =	vor.u32 v2, v25;
	vm8 =	vlt.u32 v24, $0x8280  }
0xa3: {  	v36 =	vor.u32 v3, v25;
	v37 =	vor.u32 v4, v25;
	v38 =	vor.u32 v5, v25;
	v24 =	vld [tilespmem:s24+$0xFFFFFF80];
	p0 =	slt.u32 s3, $0x3F0  }
0xa4: {  	v40 =	vor.u32 v6, v25;
	v41 =	vor.u32 v7, v25;
	v25 =	vor.u32 v8, v25;
	v39 =	vld [tilespmem:s24+$0xFFFFFF90]  }
0xa5: {  	v27 =	vor.u32 v0, v27;
	v26 =	vor.u32 v2, v26;
	v29 =	vor.u32 v3, v29;
	v42 =	vld [tilespmem:s24+$0xFFFFFFA0]  }
0xa6: {  	v28 =	vor.u32 v4, v28;
	v31 =	vor.u32 v5, v31;
	v30 =	vor.u32 v6, v30;
	v43 =	vld [tilespmem:s24+$0xFFFFFFB0]  }
0xa7: {  	v32 =	vor.u32 v7, v32;
	v44 =	vld [tilespmem:s24+$0xFFFFFFC0];
	v33 =	vadd.s32 $0xFFFF7D80, v33;
	[tilespmem:v34+s26+$0x0] =	vst.idx.msk vm7, v11  }
0xa8: {  	s16 =	sadd.s32 $0x100, s16;
	v34 =	vadd.s32 $0xFFFF7D80, v24;
	v11 =	vld [tilespmem:s24+$0xFFFFFFD0];
	v24 =	vmin.u32 v33, $0x827F;
	[tilespmem:v35+s26+$0x0] =	vst.idx.msk vm9, v15  }
0xa9: {  	s0 =	sadd.s32 $0xFFFFFF90, s16;
	s4 =	sadd.s32 $0xFFFFFFA0, s16;
	s6 =	sadd.s32 $0xFFFFFFB0, s16;
	v45 =	vmov s16;
	v15 =	vmin.u32 v34, $0x827F;
	v35 =	vadd.s32 $0xFFFF7D80, v39;
	v39 =	vld [tilespmem:s24+$0xFFFFFFE0];
	[tilespmem:v36+s26+$0x0] =	vst.idx.msk vm14, v13  }
0xaa: {  	s8 =	sadd.s32 $0xFFFFFFC0, s16;
	s10 =	sadd.s32 $0xFFFFFFD0, s16;
	s28 =	sadd.s32 $0xFFFFFFE0, s16;
	v45 =	vshrl.u32 v45, $0x7;
	v13 =	vmin.u32 v35, $0x827F;
	v36 =	vadd.s32 $0xFFFF7D80, v42;
	v42 =	vld [tilespmem:s24+$0xFFFFFFF0];
	[tilespmem:v37+s26+$0x0] =	vst.idx.msk vm13, v9  }
0xab: {  	s7 =	sadd.s32 $0xFFFFFF10, s16;
	s13 =	sadd.s32 $0xFFFFFFF0, s16;
	v45 =	vshll.u32 v45, v1;
	v9 =	vmin.u32 v36, $0x827F;
	v37 =	vadd.s32 $0xFFFF7D80, v43;
	v43 =	vld [tilespmem:s24+$0x0];
	[tilespmem:v38+s26+$0x0] =	vst.idx.msk vm12, v10  }
0xac: {  	v45 =	vbroadcast v45, $0x0;
	v10 =	vmin.u32 v37, $0x827F;
	v38 =	vadd.s32 $0xFFFF7D80, v44;
	v44 =	vld [tilespmem:s24+$0x10];
	[tilespmem:v40+s26+$0x0] =	vst.idx.msk vm11, v12  }
0xad: {  	vm7 =	vlt.u32 v33, $0x8280;
	v12 =	vmin.u32 v38, $0x827F;
	v40 =	vadd.s32 $0xFFFF7D80, v11;
	v24 =	vld.idx.msk [tilespmem:v24+s22+$0x0], $0xffff;
	[tilespmem:v41+s26+$0x0] =	vst.idx.msk vm10, v14  }
0xae: {  	v41 =	vor.u32 v8, v45;
	v14 =	vmin.u32 v40, $0x827F;
	v33 =	vadd.s32 $0xFFFF7D80, v39;
	v39 =	vld [tilespmem:s24+$0x20];
	[tilespmem:v25+s26+$0x0] =	vst.idx.msk vm6, v18  }
0xaf: {  	v18 =	vmov s7;
	v25 =	vmin.u32 v33, $0x827F;
	v42 =	vadd.s32 $0xFFFF7D80, v42;
	v45 =	vld [tilespmem:s24+$0x30];
	[tilespmem:v27+s26+$0x0] =	vst.idx.msk vm5, v16  }
0xb0: {  	v27 =	vmov s0;
	v16 =	vmin.u32 v42, $0x827F;
	v43 =	vadd.s32 $0xFFFF7D80, v43;
	v46 =	vld [tilespmem:s24+$0x40];
	[tilespmem:v26+s26+$0x0] =	vst.idx.msk vm4, v19  }
0xb1: {  	v26 =	vmov s4;
	v19 =	vmin.u32 v43, $0x827F;
	v44 =	vadd.s32 $0xFFFF7D80, v44;
	v47 =	vld [tilespmem:s24+$0x50];
	[tilespmem:v29+s26+$0x0] =	vst.idx.msk vm3, v21  }
0xb2: {  	v48 =	vmov s8;
	v29 =	vmov s6;
	v21 =	vmin.u32 v44, $0x827F;
	v49 =	vld [tilespmem:s24+$0x60];
	[tilespmem:v28+s26+$0x0] =	vst.idx.msk vm2, v22  }
0xb3: {  	v22 =	vmov s10;
	v28 =	vmov s28;
	v11 =	vld.idx.msk [tilespmem:v15+s22+$0x0], $0xffff;
	v39 =	vadd.s32 $0xFFFF7D80, v39;
	[tilespmem:v41+s26+$0x0] =	vst.idx.msk vm7, v24  }
0xb4: {  	v50 =	vmov s13;
	v15 =	vld.idx.msk [tilespmem:v13+s22+$0x0], $0xffff;
	v41 =	vmin.u32 v39, $0x827F;
	v45 =	vadd.s32 $0xFFFF7D80, v45;
	[tilespmem:v31+s26+$0x0] =	vst.idx.msk vm1, v17  }
0xb5: {  	v17 =	vshrl.u32 v18, $0x7;
	v13 =	vld.idx.msk [tilespmem:v9+s22+$0x0], $0xffff;
	v31 =	vmin.u32 v45, $0x827F;
	v46 =	vadd.s32 $0xFFFF7D80, v46;
	[tilespmem:v30+s26+$0x0] =	vst.idx.msk vm0, v20  }
0xb6: {  	v20 =	vshrl.u32 v27, $0x7;
	v9 =	vld.idx.msk [tilespmem:v10+s22+$0x0], $0xffff;
	v30 =	vmin.u32 v46, $0x827F;
	v47 =	vadd.s32 $0xFFFF7D80, v47;
	[tilespmem:v32+s26+$0x0] =	vst.idx.msk vm8, v23  }
0xb7: {  	v23 =	vshrl.u32 v26, $0x7;
	v10 =	vld.idx.msk [tilespmem:v12+s22+$0x0], $0xffff;
	v32 =	vmin.u32 v47, $0x827F;
	v24 =	vadd.s32 $0xFFFF7D80, v49  }
0xb8: {  	v27 =	vshrl.u32 v48, $0x7;
	v26 =	vshrl.u32 v29, $0x7;
	v12 =	vld.idx.msk [tilespmem:v14+s22+$0x0], $0xffff;
	v48 =	vmin.u32 v24, $0x827F  }
0xb9: {  	v22 =	vshrl.u32 v22, $0x7;
	v28 =	vshrl.u32 v28, $0x7;
	v29 =	vshrl.u32 v50, $0x7;
	v14 =	vld.idx.msk [tilespmem:v25+s22+$0x0], $0xffff  }
0xba: {  	v17 =	vshll.u32 v17, v1;
	v20 =	vshll.u32 v20, v1;
	v23 =	vshll.u32 v23, v1;
	v18 =	vld.idx.msk [tilespmem:v16+s22+$0x0], $0xffff  }
0xbb: {  	v51 =	vshll.u32 v22, v1;
	v50 =	vshll.u32 v27, v1;
	v49 =	vshll.u32 v26, v1;
	v16 =	vld.idx.msk [tilespmem:v19+s22+$0x0], $0xffff  }
0xbc: {  	v52 =	vshll.u32 v28, v1;
	v53 =	vshll.u32 v29, v1;
	v25 =	vbroadcast v17, $0x0;
	v19 =	vld.idx.msk [tilespmem:v21+s22+$0x0], $0xffff  }
0xbd: {  	vm7 =	vlt.u32 v34, $0x8280;
	v27 =	vbroadcast v20, $0x0;
	v26 =	vbroadcast v23, $0x0;
	v21 =	vld.idx.msk [tilespmem:v41+s22+$0x0], $0xffff  }
0xbe: {  	vm9 =	vlt.u32 v35, $0x8280;
	v28 =	vbroadcast v50, $0x0;
	v29 =	vbroadcast v49, $0x0;
	v22 =	vld.idx.msk [tilespmem:v31+s22+$0x0], $0xffff  }
.Ltmp1:
0xbf: {  	vm14 =	vlt.u32 v36, $0x8280;
	v31 =	vbroadcast v51, $0x0;
	v17 =	vld.idx.msk [tilespmem:v30+s22+$0x0], $0xffff;
	v30 =	vbroadcast v52, $0x0;
	(pc) =	sbr.rel @p0 .LBB2_5-.Ltmp1, $4  }
0xc0: {  	vm13 =	vlt.u32 v37, $0x8280;
	vm12 =	vlt.u32 v38, $0x8280;
	v20 =	vld.idx.msk [tilespmem:v32+s22+$0x0], $0xffff;
	v32 =	vbroadcast v53, $0x0  }
0xc1: {  	vm11 =	vlt.u32 v40, $0x8280;
	vm10 =	vlt.u32 v33, $0x8280;
	vm6 =	vlt.u32 v42, $0x8280;
	v23 =	vld.idx.msk [tilespmem:v48+s22+$0x0], $0xffff  }
0xc2: {  	vm5 =	vlt.u32 v43, $0x8280;
	vm4 =	vlt.u32 v44, $0x8280;
	vm3 =	vlt.u32 v39, $0x8280  }
0xc3: {  	s24 =	sadd.s32 $0x100, s24;
	vm2 =	vlt.u32 v45, $0x8280;
	vm1 =	vlt.u32 v46, $0x8280;
	vm0 =	vlt.u32 v47, $0x8280  }
0xc4: {  	v33 =	vor.u32 v0, v25  }
0xc5: {  	v34 =	vor.u32 v2, v25  }
0xc6: {  	v35 =	vor.u32 v3, v25  }
0xc7: {  	v36 =	vor.u32 v4, v25  }
0xc8: {  	v37 =	vor.u32 v5, v25  }
0xc9: {  	v38 =	vor.u32 v6, v25;
	[tilespmem:v33+s26+$0x0] =	vst.idx.msk vm7, v11  }
0xca: {  	v11 =	vor.u32 v7, v25;
	[tilespmem:v34+s26+$0x0] =	vst.idx.msk vm9, v15  }
0xcb: {  	v15 =	vor.u32 v8, v25;
	[tilespmem:v35+s26+$0x0] =	vst.idx.msk vm14, v13  }
0xcc: {  	v13 =	vor.u32 v0, v27;
	[tilespmem:v36+s26+$0x0] =	vst.idx.msk vm13, v9  }
0xcd: {  	v9 =	vor.u32 v2, v26;
	[tilespmem:v37+s26+$0x0] =	vst.idx.msk vm12, v10  }
0xce: {  	v10 =	vor.u32 v3, v29;
	[tilespmem:v38+s26+$0x0] =	vst.idx.msk vm11, v12  }
0xcf: {  	v12 =	vor.u32 v4, v28;
	[tilespmem:v11+s26+$0x0] =	vst.idx.msk vm10, v14  }
0xd0: {  	[tilespmem:v15+s26+$0x0] =	vst.idx.msk vm6, v18  }
0xd1: {  	[tilespmem:v13+s26+$0x0] =	vst.idx.msk vm5, v16  }
0xd2: {  	v11 =	vor.u32 v5, v31;
	[tilespmem:v9+s26+$0x0] =	vst.idx.msk vm4, v19  }
0xd3: {  	vm6 =	vlt.u32 v24, $0x8280;
	v14 =	vor.u32 v6, v30;
	[tilespmem:v10+s26+$0x0] =	vst.idx.msk vm3, v21  }
0xd4: {  	s0 =	smul.u32 $0x30E000, s11;
	v13 =	vor.u32 v7, v32;
	[tilespmem:v12+s26+$0x0] =	vst.idx.msk vm2, v22  }
0xd5: {  	s3 =	rddreg [dreg:$0x5]  }
0xd6: {  	s16 =	sadd.s32 s3, s0  }
0xd7: {  	s0 =	sor.u32 s2, s16;
	[tilespmem:v11+s26+$0x0] =	vst.idx.msk vm1, v17  }
0xd8: {  	s0 =	sshrl.u32 s0, $0x3;
	[tilespmem:v14+s26+$0x0] =	vst.idx.msk vm0, v20  }
0xd9: {  	s0 =	sadd.s32 s1, s0;
	[tilespmem:v13+s26+$0x0] =	vst.idx.msk vm6, v23  }
0xda: {  	[tilespmem:s22], [sflag:$0x2] =	stream.strided.gather [hbm4b:s0+s19], $0x8280, s20, s19, $0x38;
	[tilespmem:$0x1C500] =	vst v63  }
0xdb: {  	_ =	swait.ge [sflag:s25], $0x8180  }
0xdc: {  	[sflag:s25] =	ssyncset.done $0x0  }
0xdd: {  	[sflag:s25] =	ssyncadd.s32 $0xFFFF7E80  }
0xde: {  	_ =	swait.ge [sflag:s25], $0x80  }
0xdf: {  	[sflag:s25] =	ssyncset.done $0x0  }
0xe0: {  	s0 =	simm.s32 $0x10580;
	[sflag:s25] =	ssyncadd.s32 $0xFFFFFF80  }
0xe1: {  	v9 =	vld [tilespmem:s0+$0x70]  }
0xe2: {  	v10 =	vld [tilespmem:s0+$0xFFFFFF80]  }
0xe3: {  	v11 =	vld [tilespmem:s0+$0xFFFFFF90]  }
0xe4: {  	s3 =	simm.s32 $0xF0;
	v12 =	vld [tilespmem:s0+$0xFFFFFFA0]  }
0xe5: {  	v19 =	vmov s3;
	v13 =	vld [tilespmem:s0+$0xFFFFFFB0]  }
0xe6: {  	v19 =	vshrl.u32 v19, $0x7;
	v14 =	vld [tilespmem:s0+$0xFFFFFFC0]  }
0xe7: {  	v19 =	vshll.u32 v19, v1;
	v15 =	vld [tilespmem:s0+$0xFFFFFFD0]  }
0xe8: {  	s7 =	simm.s32 $0xB0;
	s14 =	simm.s32 $0xC0;
	v19 =	vbroadcast v19, $0x0;
	v29 =	vld [tilespmem:s0+$0x50]  }
0xe9: {  	s13 =	simm.s32 $0xA0;
	s8 =	simm.s32 $0xD0;
	v39 =	vmov s7;
	v42 =	vmov s14  }
0xea: {  	v43 =	vmov s8;
	v31 =	vmov s13;
	v58 =	vor.u32 v8, v19  }
0xeb: {  	v9 =	vadd.s32 $0xFFFEFB00, v9;
	v10 =	vadd.s32 $0xFFFEFB00, v10;
	v18 =	vadd.s32 $0xFFFEFB00, v11  }
0xec: {  	s4 =	simm.s32 $0x0;
	v40 =	vld [tilespmem:s0+$0x60];
	v22 =	vadd.s32 $0xFFFEFB00, v12;
	v23 =	vadd.s32 $0xFFFEFB00, v13;
	v55 =	vadd.s32 $0xFFFEFB00, v14  }
0xed: {  	v11 =	vld [tilespmem:s0+$0xFFFFFFE0];
	v56 =	vadd.s32 $0xFFFEFB00, v15;
	v15 =	vmov s4;
	v50 =	vadd.s32 $0xFFFEFB00, v29  }
0xee: {  	v13 =	vld [tilespmem:s0+$0x0];
	v29 =	vshrl.u32 v31, $0x7;
	v31 =	vshrl.u32 v39, $0x7;
	v16 =	vmin.u32 v9, $0x819F  }
0xef: {  	v12 =	vld [tilespmem:s0+$0xFFFFFFF0];
	v17 =	vmin.u32 v10, $0x819F;
	v20 =	vmin.u32 v18, $0x819F;
	v21 =	vmin.u32 v22, $0x819F  }
0xf0: {  	v24 =	vmin.u32 v23, $0x819F;
	v25 =	vmin.u32 v55, $0x819F;
	vm0 =	vlt.u32 v9, $0x81A0;
	v9 =	vld [tilespmem:s0+$0x20]  }
0xf1: {  	v14 =	vld [tilespmem:s0+$0x10];
	v26 =	vmin.u32 v56, $0x819F;
	vm7 =	vlt.u32 v10, $0x81A0;
	v51 =	vmin.u32 v50, $0x819F  }
0xf2: {  	vm9 =	vlt.u32 v18, $0x81A0;
	v18 =	vshrl.u32 v42, $0x7;
	v57 =	vadd.s32 $0xFFFEFB00, v11;
	v11 =	vld [tilespmem:s0+$0x30]  }
0xf3: {  	v31 =	vshll.u32 v31, v1;
	vm14 =	vlt.u32 v22, $0x81A0;
	v60 =	vadd.s32 $0xFFFEFB00, v13;
	v13 =	vld [tilespmem:s0+$0x40]  }
0xf4: {  	vm13 =	vlt.u32 v23, $0x81A0;
	vm12 =	vlt.u32 v55, $0x81A0;
	vm11 =	vlt.u32 v56, $0x81A0;
	v44 =	vld.idx.msk [tilespmem:v16+s5+$0x0], $0xffff  }
0xf5: {  	s6 =	simm.s32 $0x80;
	v42 =	vshll.u32 v18, v1;
	v59 =	vadd.s32 $0xFFFEFB00, v12;
	v41 =	vadd.s32 $0xFFFEFB00, v9;
	v9 =	vld.idx.msk [tilespmem:v24+s5+$0x0], $0xffff  }
0xf6: {  	s10 =	simm.s32 $0x90;
	v12 =	vmov s6;
	v61 =	vadd.s32 $0xFFFEFB00, v14;
	v19 =	vmin.u32 v57, $0x819F;
	v10 =	vld.idx.msk [tilespmem:v25+s5+$0x0], $0xffff  }
0xf7: {  	v14 =	vmov s10;
	v27 =	vmin.u32 v59, $0x819F;
	v46 =	vadd.s32 $0xFFFEFB00, v11;
	v11 =	vld.idx.msk [tilespmem:v17+s5+$0x0], $0xffff  }
0xf8: {  	s24 =	simm.s32 $0xE0;
	v28 =	vmin.u32 v60, $0x819F;
	v30 =	vmin.u32 v61, $0x819F;
	v17 =	vshrl.u32 v15, $0x7;
	v15 =	vld.idx.msk [tilespmem:v20+s5+$0x0], $0xffff  }
0xf9: {  	v16 =	vmov s24;
	v24 =	vadd.s32 $0xFFFEFB00, v40;
	v48 =	vadd.s32 $0xFFFEFB00, v13;
	v13 =	vld.idx.msk [tilespmem:v21+s5+$0x0], $0xffff  }
0xfa: {  	vm10 =	vlt.u32 v57, $0x81A0;
	v45 =	vmin.u32 v41, $0x819F;
	v20 =	vshrl.u32 v12, $0x7;
	v12 =	vld.idx.msk [tilespmem:v26+s5+$0x0], $0xffff  }
0xfb: {  	vm6 =	vlt.u32 v59, $0x81A0;
	vm5 =	vlt.u32 v60, $0x81A0;
	v21 =	vshrl.u32 v14, $0x7;
	v14 =	vld.idx.msk [tilespmem:v19+s5+$0x0], $0xffff  }
0xfc: {  	v62 =	vmin.u32 v24, $0x819F;
	v63 =	vshrl.u32 v16, $0x7;
	v16 =	vshll.u32 v17, v1;
	v17 =	vld.idx.msk [tilespmem:v27+s5+$0x0], $0xffff  }
0xfd: {  	v47 =	vmin.u32 v46, $0x819F;
	v49 =	vmin.u32 v48, $0x819F;
	v19 =	vshll.u32 v20, v1;
	v18 =	vld.idx.msk [tilespmem:v30+s5+$0x0], $0xffff  }
0xfe: {  	v20 =	vshll.u32 v21, v1;
	v21 =	vshll.u32 v29, v1;
	v25 =	vbroadcast v16, $0x0;
	v16 =	vld.idx.msk [tilespmem:v28+s5+$0x0], $0xffff  }
0xff: {  	vm4 =	vlt.u32 v61, $0x81A0;
	v26 =	vshrl.u32 v43, $0x7;
	v29 =	vbroadcast v21, $0x0;
	v21 =	vld.idx.msk [tilespmem:v45+s5+$0x0], $0xffff  }
0x100: {  	vm3 =	vlt.u32 v41, $0x81A0;
	v43 =	vshll.u32 v26, v1;
	v26 =	vbroadcast v20, $0x0;
	v20 =	vld.idx.msk [tilespmem:v51+s5+$0x0], $0xffff  }
0x101: {  	vm2 =	vlt.u32 v46, $0x81A0;
	vm1 =	vlt.u32 v48, $0x81A0;
	v27 =	vbroadcast v19, $0x0;
	v23 =	vld.idx.msk [tilespmem:v62+s5+$0x0], $0xffff  }
0x102: {  	v19 =	vshll.u32 v63, v1;
	v28 =	vbroadcast v31, $0x0;
	v31 =	vbroadcast v42, $0x0;
	v22 =	vld.idx.msk [tilespmem:v47+s5+$0x0], $0xffff  }
0x103: {  	s28 =	simm.s32 $0x10680;
	s24 =	simm.s32 $0x0;
	[tilespmem:v58+s26+$0x0] =	vst.idx.msk vm0, v44;
	vm0 =	vlt.u32 v50, $0x81A0;
	v30 =	vbroadcast v43, $0x0;
	v32 =	vbroadcast v19, $0x0;
	v19 =	vld.idx.msk [tilespmem:v49+s5+$0x0], $0xffff  }
.LBB2_7:
0x104: {  	v33 =	vld [tilespmem:s28+$0x70];
	s24 =	sadd.s32 $0x10, s24;
	v34 =	vor.u32 v0, v25;
	v35 =	vor.u32 v2, v25;
	vm8 =	vlt.u32 v24, $0x81A0  }
0x105: {  	v36 =	vor.u32 v3, v25;
	v37 =	vor.u32 v4, v25;
	v38 =	vor.u32 v5, v25;
	v24 =	vld [tilespmem:s28+$0xFFFFFF80];
	p0 =	slt.u32 s24, $0x3F0  }
0x106: {  	v40 =	vor.u32 v6, v25;
	v41 =	vor.u32 v7, v25;
	v25 =	vor.u32 v8, v25;
	v39 =	vld [tilespmem:s28+$0xFFFFFF90]  }
0x107: {  	v27 =	vor.u32 v0, v27;
	v26 =	vor.u32 v2, v26;
	v29 =	vor.u32 v3, v29;
	v42 =	vld [tilespmem:s28+$0xFFFFFFA0]  }
0x108: {  	v28 =	vor.u32 v4, v28;
	v31 =	vor.u32 v5, v31;
	v30 =	vor.u32 v6, v30;
	v43 =	vld [tilespmem:s28+$0xFFFFFFB0]  }
0x109: {  	v32 =	vor.u32 v7, v32;
	v44 =	vld [tilespmem:s28+$0xFFFFFFC0];
	v33 =	vadd.s32 $0xFFFEFB00, v33;
	[tilespmem:v34+s26+$0x0] =	vst.idx.msk vm7, v11  }
0x10a: {  	s3 =	sadd.s32 $0x100, s3;
	v34 =	vadd.s32 $0xFFFEFB00, v24;
	v11 =	vld [tilespmem:s28+$0xFFFFFFD0];
	v24 =	vmin.u32 v33, $0x819F;
	[tilespmem:v35+s26+$0x0] =	vst.idx.msk vm9, v15  }
0x10b: {  	s0 =	sadd.s32 $0xFFFFFF90, s3;
	s4 =	sadd.s32 $0xFFFFFFA0, s3;
	s6 =	sadd.s32 $0xFFFFFFB0, s3;
	v45 =	vmov s3;
	v15 =	vmin.u32 v34, $0x819F;
	v35 =	vadd.s32 $0xFFFEFB00, v39;
	v39 =	vld [tilespmem:s28+$0xFFFFFFE0];
	[tilespmem:v36+s26+$0x0] =	vst.idx.msk vm14, v13  }
0x10c: {  	s7 =	sadd.s32 $0xFFFFFFC0, s3;
	s8 =	sadd.s32 $0xFFFFFFD0, s3;
	s10 =	sadd.s32 $0xFFFFFFE0, s3;
	v45 =	vshrl.u32 v45, $0x7;
	v13 =	vmin.u32 v35, $0x819F;
	v36 =	vadd.s32 $0xFFFEFB00, v42;
	v42 =	vld [tilespmem:s28+$0xFFFFFFF0];
	[tilespmem:v37+s26+$0x0] =	vst.idx.msk vm13, v9  }
0x10d: {  	s13 =	sadd.s32 $0xFFFFFF10, s3;
	s14 =	sadd.s32 $0xFFFFFFF0, s3;
	v45 =	vshll.u32 v45, v1;
	v9 =	vmin.u32 v36, $0x819F;
	v37 =	vadd.s32 $0xFFFEFB00, v43;
	v43 =	vld [tilespmem:s28+$0x0];
	[tilespmem:v38+s26+$0x0] =	vst.idx.msk vm12, v10  }
0x10e: {  	v45 =	vbroadcast v45, $0x0;
	v10 =	vmin.u32 v37, $0x819F;
	v38 =	vadd.s32 $0xFFFEFB00, v44;
	v44 =	vld [tilespmem:s28+$0x10];
	[tilespmem:v40+s26+$0x0] =	vst.idx.msk vm11, v12  }
0x10f: {  	vm7 =	vlt.u32 v33, $0x81A0;
	v12 =	vmin.u32 v38, $0x819F;
	v40 =	vadd.s32 $0xFFFEFB00, v11;
	v24 =	vld.idx.msk [tilespmem:v24+s5+$0x0], $0xffff;
	[tilespmem:v41+s26+$0x0] =	vst.idx.msk vm10, v14  }
0x110: {  	v41 =	vor.u32 v8, v45;
	v14 =	vmin.u32 v40, $0x819F;
	v33 =	vadd.s32 $0xFFFEFB00, v39;
	v39 =	vld [tilespmem:s28+$0x20];
	[tilespmem:v25+s26+$0x0] =	vst.idx.msk vm6, v17  }
0x111: {  	v17 =	vmov s13;
	v25 =	vmin.u32 v33, $0x819F;
	v42 =	vadd.s32 $0xFFFEFB00, v42;
	v45 =	vld [tilespmem:s28+$0x30];
	[tilespmem:v27+s26+$0x0] =	vst.idx.msk vm5, v16  }
0x112: {  	v27 =	vmov s0;
	v16 =	vmin.u32 v42, $0x819F;
	v43 =	vadd.s32 $0xFFFEFB00, v43;
	v46 =	vld [tilespmem:s28+$0x40];
	[tilespmem:v26+s26+$0x0] =	vst.idx.msk vm4, v18  }
0x113: {  	v26 =	vmov s4;
	v18 =	vmin.u32 v43, $0x819F;
	v44 =	vadd.s32 $0xFFFEFB00, v44;
	v47 =	vld [tilespmem:s28+$0x50];
	[tilespmem:v29+s26+$0x0] =	vst.idx.msk vm3, v21  }
0x114: {  	v48 =	vmov s7;
	v29 =	vmov s6;
	v21 =	vmin.u32 v44, $0x819F;
	v49 =	vld [tilespmem:s28+$0x60];
	[tilespmem:v28+s26+$0x0] =	vst.idx.msk vm2, v22  }
0x115: {  	v22 =	vmov s8;
	v28 =	vmov s10;
	v11 =	vld.idx.msk [tilespmem:v15+s5+$0x0], $0xffff;
	v39 =	vadd.s32 $0xFFFEFB00, v39;
	[tilespmem:v41+s26+$0x0] =	vst.idx.msk vm7, v24  }
0x116: {  	v50 =	vmov s14;
	v15 =	vld.idx.msk [tilespmem:v13+s5+$0x0], $0xffff;
	v41 =	vmin.u32 v39, $0x819F;
	v45 =	vadd.s32 $0xFFFEFB00, v45;
	[tilespmem:v31+s26+$0x0] =	vst.idx.msk vm1, v19  }
0x117: {  	v17 =	vshrl.u32 v17, $0x7;
	v13 =	vld.idx.msk [tilespmem:v9+s5+$0x0], $0xffff;
	v19 =	vmin.u32 v45, $0x819F;
	v46 =	vadd.s32 $0xFFFEFB00, v46;
	[tilespmem:v30+s26+$0x0] =	vst.idx.msk vm0, v20  }
0x118: {  	v20 =	vshrl.u32 v27, $0x7;
	v9 =	vld.idx.msk [tilespmem:v10+s5+$0x0], $0xffff;
	v30 =	vmin.u32 v46, $0x819F;
	v47 =	vadd.s32 $0xFFFEFB00, v47;
	[tilespmem:v32+s26+$0x0] =	vst.idx.msk vm8, v23  }
0x119: {  	v23 =	vshrl.u32 v26, $0x7;
	v10 =	vld.idx.msk [tilespmem:v12+s5+$0x0], $0xffff;
	v32 =	vmin.u32 v47, $0x819F;
	v24 =	vadd.s32 $0xFFFEFB00, v49  }
0x11a: {  	v27 =	vshrl.u32 v48, $0x7;
	v26 =	vshrl.u32 v29, $0x7;
	v12 =	vld.idx.msk [tilespmem:v14+s5+$0x0], $0xffff;
	v48 =	vmin.u32 v24, $0x819F  }
0x11b: {  	v22 =	vshrl.u32 v22, $0x7;
	v28 =	vshrl.u32 v28, $0x7;
	v29 =	vshrl.u32 v50, $0x7;
	v14 =	vld.idx.msk [tilespmem:v25+s5+$0x0], $0xffff  }
0x11c: {  	v20 =	vshll.u32 v20, v1;
	v23 =	vshll.u32 v23, v1;
	v25 =	vshll.u32 v17, v1;
	v17 =	vld.idx.msk [tilespmem:v16+s5+$0x0], $0xffff  }
0x11d: {  	v50 =	vshll.u32 v22, v1;
	v31 =	vshll.u32 v26, v1;
	v49 =	vshll.u32 v27, v1;
	v16 =	vld.idx.msk [tilespmem:v18+s5+$0x0], $0xffff  }
0x11e: {  	v51 =	vshll.u32 v28, v1;
	v52 =	vshll.u32 v29, v1;
	v25 =	vbroadcast v25, $0x0;
	v18 =	vld.idx.msk [tilespmem:v21+s5+$0x0], $0xffff  }
0x11f: {  	vm7 =	vlt.u32 v34, $0x81A0;
	v27 =	vbroadcast v20, $0x0;
	v26 =	vbroadcast v23, $0x0;
	v21 =	vld.idx.msk [tilespmem:v41+s5+$0x0], $0xffff  }
0x120: {  	vm9 =	vlt.u32 v35, $0x81A0;
	v29 =	vbroadcast v31, $0x0;
	v28 =	vbroadcast v49, $0x0;
	v22 =	vld.idx.msk [tilespmem:v19+s5+$0x0], $0xffff  }
.Ltmp2:
0x121: {  	vm14 =	vlt.u32 v36, $0x81A0;
	v31 =	vbroadcast v50, $0x0;
	v19 =	vld.idx.msk [tilespmem:v30+s5+$0x0], $0xffff;
	v30 =	vbroadcast v51, $0x0;
	(pc) =	sbr.rel @p0 .LBB2_7-.Ltmp2, $4  }
0x122: {  	vm13 =	vlt.u32 v37, $0x81A0;
	vm12 =	vlt.u32 v38, $0x81A0;
	v20 =	vld.idx.msk [tilespmem:v32+s5+$0x0], $0xffff;
	v32 =	vbroadcast v52, $0x0  }
0x123: {  	vm11 =	vlt.u32 v40, $0x81A0;
	vm10 =	vlt.u32 v33, $0x81A0;
	vm6 =	vlt.u32 v42, $0x81A0;
	v23 =	vld.idx.msk [tilespmem:v48+s5+$0x0], $0xffff  }
0x124: {  	vm5 =	vlt.u32 v43, $0x81A0;
	vm4 =	vlt.u32 v44, $0x81A0;
	vm3 =	vlt.u32 v39, $0x81A0  }
0x125: {  	s28 =	sadd.s32 $0x100, s28;
	vm2 =	vlt.u32 v45, $0x81A0;
	vm1 =	vlt.u32 v46, $0x81A0;
	vm0 =	vlt.u32 v47, $0x81A0  }
0x126: {  	v33 =	vor.u32 v0, v25  }
0x127: {  	v34 =	vor.u32 v2, v25  }
0x128: {  	v35 =	vor.u32 v3, v25  }
0x129: {  	v36 =	vor.u32 v4, v25  }
0x12a: {  	v37 =	vor.u32 v5, v25  }
0x12b: {  	v38 =	vor.u32 v6, v25;
	[tilespmem:v33+s26+$0x0] =	vst.idx.msk vm7, v11  }
0x12c: {  	v11 =	vor.u32 v7, v25;
	[tilespmem:v34+s26+$0x0] =	vst.idx.msk vm9, v15  }
0x12d: {  	v15 =	vor.u32 v8, v25;
	[tilespmem:v35+s26+$0x0] =	vst.idx.msk vm14, v13  }
0x12e: {  	v13 =	vor.u32 v0, v27;
	[tilespmem:v36+s26+$0x0] =	vst.idx.msk vm13, v9  }
0x12f: {  	v9 =	vor.u32 v2, v26;
	[tilespmem:v37+s26+$0x0] =	vst.idx.msk vm12, v10  }
0x130: {  	v10 =	vor.u32 v3, v29;
	[tilespmem:v38+s26+$0x0] =	vst.idx.msk vm11, v12  }
0x131: {  	v12 =	vor.u32 v4, v28;
	[tilespmem:v11+s26+$0x0] =	vst.idx.msk vm10, v14  }
0x132: {  	v11 =	vor.u32 v5, v31;
	[tilespmem:v15+s26+$0x0] =	vst.idx.msk vm6, v17  }
0x133: {  	[tilespmem:v13+s26+$0x0] =	vst.idx.msk vm5, v16  }
0x134: {  	[tilespmem:v9+s26+$0x0] =	vst.idx.msk vm4, v18  }
0x135: {  	vm6 =	vlt.u32 v24, $0x81A0;
	v14 =	vor.u32 v6, v30;
	[tilespmem:v10+s26+$0x0] =	vst.idx.msk vm3, v21  }
0x136: {  	v13 =	vor.u32 v7, v32;
	[tilespmem:v12+s26+$0x0] =	vst.idx.msk vm2, v22  }
0x137: {  	[tilespmem:v11+s26+$0x0] =	vst.idx.msk vm1, v19  }
0x138: {  	s0 =	rddreg [dreg:$0x9]  }
0x139: {  	s0 =	sadd.s32 s0, s16  }
0x13a: {  	[tilespmem:v14+s26+$0x0] =	vst.idx.msk vm0, v20;
	s0 =	sshrl.u32 s0, $0x3  }
0x13b: {  	s4 =	sshll.u32 s21, $0x14;
	[tilespmem:v13+s26+$0x0] =	vst.idx.msk vm6, v23;
	s0 =	sadd.s32 s1, s0  }
0x13c: {  	[tilespmem:s5], [sflag:$0x1] =	stream.strided.gather [hbm4b:s0+s19], $0x8280, s20, s19, $0x38;
	[tilespmem:$0x1C500] =	vst v63  }
0x13d: {  	s0 =	sor.u32 s18, s4  }
0x13e: {  	s3 =	rddreg [dreg:$0x3];
	s0 =	sshrl.u32 s0, $0x3  }
0x13f: {  	s0 =	sadd.s32 s3, s0  }
0x140: {  	[hbm4b:s0+s19] =	stream.strided.scatter [tilespmem:s26], [sflag:$0x5], $0x4000, s20, s19, $0x38;
	[tilespmem:$0x1C500] =	vst v63  }
0x141: {  	s12 =	sadd.s32 $0x2, s12;
	p0 =	seq.s32 s21, $0xC;
	_ =	swait.ge [sflag:s30], $0x4000  }
0x142: {  	s6 =	simm.s32 @!p0 $0x10500;
	s0 =	sshll.u32 @!p0 s12, $0x4;
	[sflag:s30] =	ssyncset.done $0x0  }
0x143: {  	s3 =	sshll.u32 @!p0 s12, $0xB;
	s0 =	sand.u32 @!p0 $0x60, s0;
	s4 =	rddreg [dreg:$0x1]  }
0x144: {  	s3 =	sand.u32 @!p0 $0x1C000, s3;
	[sflag:s30] =	ssyncadd.s32 $0xFFFFC000;
	s0 =	sadd.s32 @!p0 s4, s0  }
0x145: {  	s4 =	simm.s32 @!p0 $0x400;
	s0 =	sadd.s32 @!p0 s3, s0;
	s3 =	simm.s32 @!p0 $0x80  }
0x146: {  	[tilespmem:s6], [sflag:$0x3] =	stream.strided.gather @!p0 [hbm4b:s0+s3], $0x4000, s4, s3, $0x38;
	[tilespmem:$0x1C500] =	vst v63  }
0x147: {  	_ =	swait.ge [sflag:s31], $0x4000  }
0x148: {  	[sflag:s31] =	ssyncset.done $0x0  }
0x149: {  	[sflag:s31] =	ssyncadd.s32 $0xFFFFC000  }
0x14a: {  	_ =	swait.ge [sflag:s29], $0x8280  }
0x14b: {  	[sflag:s29] =	ssyncset.done $0x0  }
0x14c: {  	s0 =	simm.s32 $0x14580;
	[sflag:s29] =	ssyncadd.s32 $0xFFFF7D80  }
0x14d: {  	v9 =	vld [tilespmem:s0+$0x70]  }
0x14e: {  	v10 =	vld [tilespmem:s0+$0xFFFFFF80]  }
0x14f: {  	v14 =	vld [tilespmem:s0+$0xFFFFFF90]  }
0x150: {  	s8 =	simm.s32 $0x0;
	v16 =	vld [tilespmem:s0+$0xFFFFFFA0]  }
0x151: {  	s10 =	simm.s32 $0xA0;
	v24 =	vmov s8;
	v17 =	vld [tilespmem:s0+$0xFFFFFFB0]  }
0x152: {  	s24 =	simm.s32 $0xE0;
	v28 =	vmov s10;
	v24 =	vshrl.u32 v24, $0x7;
	v20 =	vld [tilespmem:s0+$0xFFFFFFC0]  }
0x153: {  	v59 =	vmov s24;
	v28 =	vshrl.u32 v28, $0x7;
	v24 =	vshll.u32 v24, v1;
	v21 =	vld [tilespmem:s0+$0xFFFFFFD0]  }
0x154: {  	v34 =	vshrl.u32 v59, $0x7;
	v28 =	vshll.u32 v28, v1;
	v49 =	vbroadcast v24, $0x0;
	v22 =	vld [tilespmem:s0+$0xFFFFFFE0]  }
0x155: {  	s7 =	simm.s32 $0x90;
	v34 =	vshll.u32 v34, v1;
	v28 =	vbroadcast v28, $0x0;
	v23 =	vld [tilespmem:s0+$0xFFFFFFF0]  }
0x156: {  	v24 =	vbroadcast v34, $0x0;
	v19 =	vmov s7;
	v53 =	vor.u32 v0, v49;
	v27 =	vld [tilespmem:s0+$0x0]  }
0x157: {  	v55 =	vor.u32 v2, v49;
	v33 =	vor.u32 v3, v49;
	v37 =	vld [tilespmem:s0+$0x10];
	v11 =	vmin.u32 v9, $0x827F  }
0x158: {  	v32 =	vor.u32 v4, v49;
	v34 =	vor.u32 v6, v49;
	v57 =	vld [tilespmem:s0+$0x20];
	v12 =	vmin.u32 v10, $0x827F  }
0x159: {  	s13 =	simm.s32 $0xB0;
	v36 =	vor.u32 v7, v49;
	v19 =	vshrl.u32 v19, $0x7;
	v39 =	vld [tilespmem:s0+$0x30];
	v13 =	vmin.u32 v14, $0x827F  }
0x15a: {  	v40 =	vld [tilespmem:s0+$0x40];
	v25 =	vmin.u32 v17, $0x827F;
	vm1 =	vlt.u32 v9, $0x8280;
	v9 =	vmov s13  }
0x15b: {  	v19 =	vshll.u32 v19, v1;
	s3 =	simm.s32 $0xF0;
	v26 =	vmin.u32 v20, $0x827F;
	v61 =	vshrl.u32 v9, $0x7;
	v9 =	vld [tilespmem:s0+$0x60]  }
0x15c: {  	vm0 =	vlt.u32 v10, $0x8280;
	v10 =	vmov s3;
	v30 =	vmin.u32 v21, $0x827F;
	v29 =	vld.idx.msk [tilespmem:v11+s22+$0x0], $0xffff  }
0x15d: {  	v35 =	vor.u32 v8, v49;
	v52 =	vbroadcast v19, $0x0;
	s6 =	simm.s32 $0x80;
	v10 =	vshrl.u32 v10, $0x7;
	v44 =	vld.idx.msk [tilespmem:v12+s22+$0x0], $0xffff  }
0x15e: {  	v15 =	vmov s6;
	v56 =	vmin.u32 v22, $0x827F;
	v10 =	vshll.u32 v10, v1;
	v46 =	vld.idx.msk [tilespmem:v13+s22+$0x0], $0xffff  }
0x15f: {  	v15 =	vshrl.u32 v15, $0x7;
	v60 =	vmin.u32 v27, $0x827F;
	v10 =	vbroadcast v10, $0x0;
	v12 =	vld.idx.msk [tilespmem:v25+s22+$0x0], $0xffff  }
0x160: {  	s14 =	simm.s32 $0xC0;
	v15 =	vshll.u32 v15, v1;
	v42 =	vmin.u32 v37, $0x827F;
	v45 =	vmin.u32 v57, $0x827F;
	v13 =	vld.idx.msk [tilespmem:v26+s22+$0x0], $0xffff  }
0x161: {  	vm2 =	vlt.u32 v14, $0x8280;
	v31 =	vor.u32 v8, v10;
	v10 =	vmov s14;
	v14 =	vld.idx.msk [tilespmem:v30+s22+$0x0], $0xffff  }
0x162: {  	v50 =	vbroadcast v15, $0x0;
	v47 =	vmin.u32 v39, $0x827F;
	v41 =	vshrl.u32 v10, $0x7;
	v10 =	vld [tilespmem:s0+$0x50]  }
0x163: {  	v18 =	vmin.u32 v16, $0x827F;
	v58 =	vmin.u32 v23, $0x827F;
	v48 =	vmin.u32 v40, $0x827F;
	v15 =	vld.idx.msk [tilespmem:v56+s22+$0x0], $0xffff  }
0x164: {  	vm8 =	vlt.u32 v16, $0x8280;
	vm5 =	vlt.u32 v17, $0x8280;
	vm6 =	vlt.u32 v20, $0x8280;
	v19 =	vld.idx.msk [tilespmem:v60+s22+$0x0], $0xffff  }
0x165: {  	vm9 =	vlt.u32 v21, $0x8280;
	vm10 =	vlt.u32 v22, $0x8280;
	vm11 =	vlt.u32 v23, $0x8280;
	v16 =	vld.idx.msk [tilespmem:v42+s22+$0x0], $0xffff  }
0x166: {  	s7 =	simm.s32 $0xD0;
	vm7 =	vlt.u32 v27, $0x8280;
	vm3 =	vlt.u32 v37, $0x8280;
	v17 =	vld.idx.msk [tilespmem:v45+s22+$0x0], $0xffff;
	v51 =	vmin.u32 v9, $0x827F  }
0x167: {  	v27 =	vor.u32 v3, v28;
	v11 =	vmov s7;
	v20 =	vld.idx.msk [tilespmem:v47+s22+$0x0], $0xffff;
	v63 =	vmin.u32 v10, $0x827F  }
0x168: {  	vm4 =	vlt.u32 v39, $0x8280;
	v43 =	vshrl.u32 v11, $0x7;
	v11 =	vld.idx.msk [tilespmem:v18+s22+$0x0], $0xffff;
	v18 =	vshll.u32 v61, v1  }
0x169: {  	v21 =	vld.idx.msk [tilespmem:v48+s22+$0x0], $0xffff;
	v62 =	vshll.u32 v41, v1;
	v43 =	vshll.u32 v43, v1;
	v54 =	vbroadcast v18, $0x0  }
0x16a: {  	v30 =	vor.u32 v5, v49;
	v18 =	vld.idx.msk [tilespmem:v58+s22+$0x0], $0xffff;
	v25 =	vbroadcast v62, $0x0;
	v26 =	vbroadcast v43, $0x0;
	[tilespmem:v31+s26+$0x0] =	vst.idx.msk vm1, v29  }
0x16b: {  	v28 =	vor.u32 v4, v54;
	[tilespmem:v53+s26+$0x0] =	vst.idx.msk vm0, v44;
	v31 =	vor.u32 v0, v50;
	v23 =	vld.idx.msk [tilespmem:v51+s22+$0x0], $0xffff  }
0x16c: {  	s28 =	simm.s32 $0x14680;
	s24 =	simm.s32 $0x0;
	v29 =	vor.u32 v2, v52;
	vm1 =	vlt.u32 v57, $0x8280;
	[tilespmem:v55+s26+$0x0] =	vst.idx.msk vm2, v46;
	vm2 =	vlt.u32 v40, $0x8280;
	v22 =	vld.idx.msk [tilespmem:v63+s22+$0x0], $0xffff  }
.LBB2_9:
0x16d: {  	v37 =	vld [tilespmem:s28+$0x70];
	s24 =	sadd.s32 $0x10, s24;
	[tilespmem:v33+s26+$0x0] =	vst.idx.msk vm8, v11;
	v11 =	vor.u32 v5, v25;
	vm8 =	vlt.u32 v10, $0x8280;
	v10 =	vor.u32 v6, v26  }
0x16e: {  	v25 =	vld [tilespmem:s28+$0xFFFFFF80];
	p1 =	slt.u32 s24, $0x3F0;
	[tilespmem:v32+s26+$0x0] =	vst.idx.msk vm5, v12;
	vm5 =	vlt.u32 v9, $0x8280;
	v9 =	vor.u32 v7, v24  }
0x16f: {  	v24 =	vld [tilespmem:s28+$0xFFFFFF90];
	[tilespmem:v30+s26+$0x0] =	vst.idx.msk vm6, v13  }
0x170: {  	v30 =	vld [tilespmem:s28+$0xFFFFFFA0];
	[tilespmem:v34+s26+$0x0] =	vst.idx.msk vm9, v14  }
0x171: {  	v32 =	vld [tilespmem:s28+$0xFFFFFFB0];
	[tilespmem:v36+s26+$0x0] =	vst.idx.msk vm10, v15  }
0x172: {  	s3 =	sadd.s32 $0x100, s3;
	v34 =	vld [tilespmem:s28+$0xFFFFFFC0];
	v12 =	vmin.u32 v37, $0x827F;
	[tilespmem:v35+s26+$0x0] =	vst.idx.msk vm11, v18  }
0x173: {  	s0 =	sadd.s32 $0xFFFFFF90, s3;
	s4 =	sadd.s32 $0xFFFFFFA0, s3;
	s6 =	sadd.s32 $0xFFFFFFB0, s3;
	v14 =	vmov s3;
	vm0 =	vlt.u32 v25, $0x8280;
	v13 =	vmin.u32 v25, $0x827F;
	v35 =	vld [tilespmem:s28+$0xFFFFFFD0];
	[tilespmem:v31+s26+$0x0] =	vst.idx.msk vm7, v19  }
0x174: {  	s7 =	sadd.s32 $0xFFFFFFD0, s3;
	s8 =	sadd.s32 $0xFFFFFFE0, s3;
	v14 =	vshrl.u32 v14, $0x7;
	v18 =	vmov s0;
	s0 =	sadd.s32 $0xFFFFFFC0, s3;
	v15 =	vmin.u32 v24, $0x827F;
	v31 =	vld [tilespmem:s28+$0xFFFFFFE0];
	[tilespmem:v29+s26+$0x0] =	vst.idx.msk vm3, v16  }
0x175: {  	s10 =	sadd.s32 $0xFFFFFF10, s3;
	v14 =	vshll.u32 v14, v1;
	v19 =	vmov s4;
	s4 =	sadd.s32 $0xFFFFFFF0, s3;
	v16 =	vmin.u32 v30, $0x827F;
	v29 =	vld [tilespmem:s28+$0xFFFFFFF0];
	[tilespmem:v27+s26+$0x0] =	vst.idx.msk vm1, v17  }
0x176: {  	v14 =	vbroadcast v14, $0x0;
	v17 =	vmov s10;
	v25 =	vmin.u32 v32, $0x827F;
	v27 =	vld [tilespmem:s28+$0x0];
	[tilespmem:v28+s26+$0x0] =	vst.idx.msk vm4, v20  }
0x177: {  	v26 =	vmov s6;
	vm1 =	vlt.u32 v37, $0x8280;
	v20 =	vmin.u32 v34, $0x827F;
	v12 =	vld.idx.msk [tilespmem:v12+s22+$0x0], $0xffff;
	[tilespmem:v11+s26+$0x0] =	vst.idx.msk vm2, v21  }
0x178: {  	v14 =	vor.u32 v8, v14;
	v11 =	vmov s0;
	v21 =	vmin.u32 v35, $0x827F;
	v28 =	vld [tilespmem:s28+$0x10];
	[tilespmem:v10+s26+$0x0] =	vst.idx.msk vm8, v22  }
0x179: {  	v33 =	vmov s8;
	v10 =	vmov s7;
	v22 =	vmin.u32 v31, $0x827F;
	v37 =	vld [tilespmem:s28+$0x20];
	[tilespmem:v9+s26+$0x0] =	vst.idx.msk vm5, v23  }
0x17a: {  	v36 =	vmov s4;
	v17 =	vshrl.u32 v17, $0x7;
	v23 =	vmin.u32 v29, $0x827F;
	v38 =	vld [tilespmem:s28+$0x30]  }
0x17b: {  	v18 =	vshrl.u32 v18, $0x7;
	v19 =	vshrl.u32 v19, $0x7;
	v39 =	vmin.u32 v27, $0x827F;
	v40 =	vld [tilespmem:s28+$0x40]  }
0x17c: {  	v26 =	vshrl.u32 v26, $0x7;
	v41 =	vshrl.u32 v11, $0x7;
	v42 =	vshrl.u32 v10, $0x7;
	v10 =	vld [tilespmem:s28+$0x50]  }
0x17d: {  	v33 =	vshrl.u32 v33, $0x7;
	v36 =	vshrl.u32 v36, $0x7;
	v43 =	vmin.u32 v28, $0x827F;
	v9 =	vld [tilespmem:s28+$0x60];
	[tilespmem:v14+s26+$0x0] =	vst.idx.msk vm1, v12  }
0x17e: {  	v14 =	vshll.u32 v18, v1;
	v44 =	vld.idx.msk [tilespmem:v13+s22+$0x0], $0xffff;
	v13 =	vshll.u32 v17, v1;
	v17 =	vmin.u32 v37, $0x827F  }
0x17f: {  	v18 =	vshll.u32 v26, v1;
	v45 =	vld.idx.msk [tilespmem:v15+s22+$0x0], $0xffff;
	v15 =	vshll.u32 v19, v1;
	v46 =	vmin.u32 v38, $0x827F  }
0x180: {  	v19 =	vshll.u32 v42, v1;
	v11 =	vld.idx.msk [tilespmem:v16+s22+$0x0], $0xffff;
	v16 =	vshll.u32 v41, v1;
	v41 =	vmin.u32 v40, $0x827F  }
0x181: {  	v26 =	vshll.u32 v33, v1;
	v33 =	vshll.u32 v36, v1;
	v12 =	vld.idx.msk [tilespmem:v25+s22+$0x0], $0xffff;
	v42 =	vmin.u32 v10, $0x827F  }
0x182: {  	v48 =	vbroadcast v14, $0x0;
	v47 =	vbroadcast v13, $0x0;
	v13 =	vld.idx.msk [tilespmem:v20+s22+$0x0], $0xffff;
	v49 =	vmin.u32 v9, $0x827F  }
0x183: {  	vm2 =	vlt.u32 v24, $0x8280;
	v51 =	vbroadcast v18, $0x0;
	v50 =	vbroadcast v15, $0x0;
	v14 =	vld.idx.msk [tilespmem:v21+s22+$0x0], $0xffff  }
0x184: {  	v52 =	vbroadcast v16, $0x0;
	v25 =	vbroadcast v19, $0x0;
	v21 =	vor.u32 v0, v47;
	v15 =	vld.idx.msk [tilespmem:v22+s22+$0x0], $0xffff  }
0x185: {  	v26 =	vbroadcast v26, $0x0;
	v24 =	vbroadcast v33, $0x0;
	v53 =	vor.u32 v2, v47;
	v18 =	vld.idx.msk [tilespmem:v23+s22+$0x0], $0xffff  }
0x186: {  	vm8 =	vlt.u32 v30, $0x8280;
	vm5 =	vlt.u32 v32, $0x8280;
	v33 =	vor.u32 v3, v47;
	v19 =	vld.idx.msk [tilespmem:v39+s22+$0x0], $0xffff  }
0x187: {  	vm6 =	vlt.u32 v34, $0x8280;
	v32 =	vor.u32 v4, v47;
	v30 =	vor.u32 v5, v47;
	v16 =	vld.idx.msk [tilespmem:v43+s22+$0x0], $0xffff  }
.Ltmp3:
0x188: {  	vm9 =	vlt.u32 v35, $0x8280;
	vm10 =	vlt.u32 v31, $0x8280;
	v34 =	vor.u32 v6, v47;
	v17 =	vld.idx.msk [tilespmem:v17+s22+$0x0], $0xffff;
	(pc) =	sbr.rel @p1 .LBB2_9-.Ltmp3, $4  }
0x189: {  	vm11 =	vlt.u32 v29, $0x8280;
	v36 =	vor.u32 v7, v47;
	v35 =	vor.u32 v8, v47;
	v20 =	vld.idx.msk [tilespmem:v46+s22+$0x0], $0xffff  }
0x18a: {  	vm7 =	vlt.u32 v27, $0x8280;
	vm3 =	vlt.u32 v28, $0x8280;
	v31 =	vor.u32 v0, v48;
	[tilespmem:v21+s26+$0x0] =	vst.idx.msk vm0, v44;
	v21 =	vld.idx.msk [tilespmem:v41+s22+$0x0], $0xffff  }
0x18b: {  	vm1 =	vlt.u32 v37, $0x8280;
	v27 =	vor.u32 v3, v51;
	v29 =	vor.u32 v2, v50;
	v22 =	vld.idx.msk [tilespmem:v42+s22+$0x0], $0xffff  }
0x18c: {  	s28 =	sadd.s32 $0x100, s28;
	vm4 =	vlt.u32 v38, $0x8280;
	v28 =	vor.u32 v4, v52;
	[tilespmem:v53+s26+$0x0] =	vst.idx.msk vm2, v45;
	vm2 =	vlt.u32 v40, $0x8280;
	v23 =	vld.idx.msk [tilespmem:v49+s22+$0x0], $0xffff  }
0x18d: {  	_ =	sdelay $0x4  }
0x18e: {  	[tilespmem:v33+s26+$0x0] =	vst.idx.msk vm8, v11  }
0x18f: {  	[tilespmem:v32+s26+$0x0] =	vst.idx.msk vm5, v12  }
0x190: {  	[tilespmem:v30+s26+$0x0] =	vst.idx.msk vm6, v13  }
0x191: {  	[tilespmem:v34+s26+$0x0] =	vst.idx.msk vm9, v14  }
0x192: {  	[tilespmem:v36+s26+$0x0] =	vst.idx.msk vm10, v15  }
0x193: {  	v11 =	vor.u32 v5, v25;
	[tilespmem:v35+s26+$0x0] =	vst.idx.msk vm11, v18  }
0x194: {  	[tilespmem:v31+s26+$0x0] =	vst.idx.msk vm7, v19  }
0x195: {  	vm0 =	vlt.u32 v10, $0x8280;
	[tilespmem:v29+s26+$0x0] =	vst.idx.msk vm3, v16  }
0x196: {  	v10 =	vor.u32 v6, v26;
	vm5 =	vlt.u32 v9, $0x8280;
	[tilespmem:v27+s26+$0x0] =	vst.idx.msk vm1, v17  }
0x197: {  	v9 =	vor.u32 v7, v24;
	[tilespmem:v28+s26+$0x0] =	vst.idx.msk vm4, v20  }
0x198: {  	[tilespmem:v11+s26+$0x0] =	vst.idx.msk vm2, v21  }
0x199: {  	s0 =	rddreg [dreg:$0xa]  }
0x19a: {  	s0 =	sadd.s32 s0, s16  }
0x19b: {  	[tilespmem:v10+s26+$0x0] =	vst.idx.msk vm0, v22;
	s0 =	sshrl.u32 s0, $0x3  }
0x19c: {  	s10 =	sshll.u32 s11, $0xC;
	[tilespmem:v9+s26+$0x0] =	vst.idx.msk vm5, v23;
	s0 =	sadd.s32 s1, s0  }
0x19d: {  	[tilespmem:s22], [sflag:$0x2] =	stream.strided.gather [hbm4b:s0+s19], $0x8180, s20, s19, $0x38;
	[tilespmem:$0x1C500] =	vst v63  }
0x19e: {  	s0 =	sor.u32 s17, s10  }
0x19f: {  	s0 =	sshrl.u32 s0, $0x3  }
0x1a0: {  	s3 =	simm.s32 $0x10400;
	s0 =	sadd.s32 s9, s0  }
0x1a1: {  	[tilespmem:s3], [sflag:$0x2] =	stream.linear.gather [hbm4b:s0+s5], $0x80, $0x38;
	[tilespmem:$0x1C500] =	vst v63  }
0x1a2: {  	_ =	swait.ge [sflag:s25], $0x8280  }
0x1a3: {  	[sflag:s25] =	ssyncset.done $0x0  }
0x1a4: {  	s13 =	simm.s32 $0x14580;
	[sflag:s25] =	ssyncadd.s32 $0xFFFF7D80  }
0x1a5: {  	v9 =	vld [tilespmem:s13+$0x70]  }
0x1a6: {  	v10 =	vld [tilespmem:s13+$0xFFFFFF80]  }
0x1a7: {  	v11 =	vld [tilespmem:s13+$0xFFFFFF90]  }
0x1a8: {  	s3 =	simm.s32 $0xF0;
	v12 =	vld [tilespmem:s13+$0xFFFFFFA0]  }
0x1a9: {  	v19 =	vmov s3;
	v13 =	vld [tilespmem:s13+$0xFFFFFFB0]  }
0x1aa: {  	v19 =	vshrl.u32 v19, $0x7;
	v14 =	vld [tilespmem:s13+$0xFFFFFFC0]  }
0x1ab: {  	v19 =	vshll.u32 v19, v1;
	v15 =	vld [tilespmem:s13+$0xFFFFFFD0]  }
0x1ac: {  	s7 =	simm.s32 $0xB0;
	s24 =	simm.s32 $0xC0;
	v19 =	vbroadcast v19, $0x0;
	v29 =	vld [tilespmem:s13+$0x50]  }
0x1ad: {  	s8 =	simm.s32 $0xD0;
	v39 =	vmov s7;
	v42 =	vmov s24;
	s16 =	simm.s32 $0xA0  }
0x1ae: {  	v43 =	vmov s8;
	v31 =	vmov s16;
	v59 =	vor.u32 v8, v19  }
0x1af: {  	v9 =	vadd.s32 $0xFFFF7D80, v9;
	v10 =	vadd.s32 $0xFFFF7D80, v10;
	v18 =	vadd.s32 $0xFFFF7D80, v11  }
0x1b0: {  	s4 =	simm.s32 $0x0;
	v11 =	vld [tilespmem:s13+$0xFFFFFFE0];
	v22 =	vadd.s32 $0xFFFF7D80, v12;
	v23 =	vadd.s32 $0xFFFF7D80, v13;
	v56 =	vadd.s32 $0xFFFF7D80, v14  }
0x1b1: {  	v12 =	vld [tilespmem:s13+$0xFFFFFFF0];
	v57 =	vadd.s32 $0xFFFF7D80, v15;
	v15 =	vmov s4;
	v50 =	vadd.s32 $0xFFFF7D80, v29  }
0x1b2: {  	v13 =	vld [tilespmem:s13+$0x0];
	v29 =	vshrl.u32 v31, $0x7;
	v31 =	vshrl.u32 v39, $0x7;
	v16 =	vmin.u32 v9, $0x827F  }
0x1b3: {  	v14 =	vld [tilespmem:s13+$0x10];
	v17 =	vmin.u32 v10, $0x827F;
	v20 =	vmin.u32 v18, $0x827F;
	v21 =	vmin.u32 v22, $0x827F  }
0x1b4: {  	v24 =	vmin.u32 v23, $0x827F;
	v25 =	vmin.u32 v56, $0x827F;
	vm0 =	vlt.u32 v9, $0x8280;
	v9 =	vld [tilespmem:s13+$0x20]  }
0x1b5: {  	v40 =	vld [tilespmem:s13+$0x60];
	v26 =	vmin.u32 v57, $0x827F;
	vm7 =	vlt.u32 v10, $0x8280;
	v51 =	vmin.u32 v50, $0x827F  }
0x1b6: {  	vm9 =	vlt.u32 v18, $0x8280;
	vm14 =	vlt.u32 v22, $0x8280;
	v58 =	vadd.s32 $0xFFFF7D80, v11;
	v11 =	vld [tilespmem:s13+$0x30]  }
0x1b7: {  	s6 =	simm.s32 $0x80;
	vm13 =	vlt.u32 v23, $0x8280;
	vm12 =	vlt.u32 v56, $0x8280;
	v37 =	vadd.s32 $0xFFFF7D80, v13;
	v13 =	vld [tilespmem:s13+$0x40]  }
0x1b8: {  	s14 =	simm.s32 $0x90;
	vm11 =	vlt.u32 v57, $0x8280;
	v60 =	vadd.s32 $0xFFFF7D80, v12;
	v12 =	vmov s6;
	v44 =	vld.idx.msk [tilespmem:v16+s5+$0x0], $0xffff  }
0x1b9: {  	v38 =	vadd.s32 $0xFFFF7D80, v14;
	v14 =	vmov s14;
	v41 =	vadd.s32 $0xFFFF7D80, v9;
	v9 =	vld.idx.msk [tilespmem:v24+s5+$0x0], $0xffff  }
0x1ba: {  	s28 =	simm.s32 $0xE0;
	v19 =	vmin.u32 v58, $0x827F;
	v27 =	vmin.u32 v60, $0x827F;
	v28 =	vmin.u32 v37, $0x827F;
	v10 =	vld.idx.msk [tilespmem:v25+s5+$0x0], $0xffff  }
0x1bb: {  	v30 =	vmin.u32 v38, $0x827F;
	v16 =	vmov s28;
	v46 =	vadd.s32 $0xFFFF7D80, v11;
	v11 =	vld.idx.msk [tilespmem:v17+s5+$0x0], $0xffff  }
0x1bc: {  	v24 =	vadd.s32 $0xFFFF7D80, v40;
	v25 =	vshrl.u32 v42, $0x7;
	v17 =	vshrl.u32 v15, $0x7;
	v15 =	vld.idx.msk [tilespmem:v20+s5+$0x0], $0xffff  }
0x1bd: {  	vm10 =	vlt.u32 v58, $0x8280;
	vm6 =	vlt.u32 v60, $0x8280;
	v48 =	vadd.s32 $0xFFFF7D80, v13;
	v13 =	vld.idx.msk [tilespmem:v21+s5+$0x0], $0xffff  }
0x1be: {  	v45 =	vmin.u32 v41, $0x827F;
	v61 =	vmin.u32 v24, $0x827F;
	v20 =	vshrl.u32 v12, $0x7;
	v12 =	vld.idx.msk [tilespmem:v26+s5+$0x0], $0xffff  }
0x1bf: {  	v62 =	vshrl.u32 v16, $0x7;
	v21 =	vshrl.u32 v14, $0x7;
	v26 =	vshrl.u32 v43, $0x7;
	v14 =	vld.idx.msk [tilespmem:v19+s5+$0x0], $0xffff  }
0x1c0: {  	v47 =	vmin.u32 v46, $0x827F;
	v16 =	vshll.u32 v17, v1;
	v19 =	vshll.u32 v21, v1;
	v18 =	vld.idx.msk [tilespmem:v27+s5+$0x0], $0xffff  }
0x1c1: {  	v21 =	vshll.u32 v31, v1;
	v31 =	vshll.u32 v25, v1;
	v25 =	vbroadcast v16, $0x0;
	v16 =	vld.idx.msk [tilespmem:v28+s5+$0x0], $0xffff  }
0x1c2: {  	v49 =	vmin.u32 v48, $0x827F;
	v63 =	vshll.u32 v26, v1;
	v26 =	vbroadcast v19, $0x0;
	v19 =	vld.idx.msk [tilespmem:v30+s5+$0x0], $0xffff  }
0x1c3: {  	v17 =	vshll.u32 v20, v1;
	v20 =	vshll.u32 v29, v1;
	v28 =	vbroadcast v21, $0x0;
	v21 =	vld.idx.msk [tilespmem:v45+s5+$0x0], $0xffff  }
0x1c4: {  	vm5 =	vlt.u32 v37, $0x8280;
	vm4 =	vlt.u32 v38, $0x8280;
	v29 =	vbroadcast v20, $0x0;
	v20 =	vld.idx.msk [tilespmem:v51+s5+$0x0], $0xffff  }
0x1c5: {  	vm3 =	vlt.u32 v41, $0x8280;
	vm2 =	vlt.u32 v46, $0x8280;
	vm1 =	vlt.u32 v48, $0x8280;
	v23 =	vld.idx.msk [tilespmem:v61+s5+$0x0], $0xffff  }
0x1c6: {  	v27 =	vbroadcast v17, $0x0;
	v17 =	vshll.u32 v62, v1;
	v31 =	vbroadcast v31, $0x0;
	v22 =	vld.idx.msk [tilespmem:v47+s5+$0x0], $0xffff  }
0x1c7: {  	s24 =	simm.s32 $0x14680;
	s16 =	simm.s32 $0x0;
	[tilespmem:v59+s26+$0x0] =	vst.idx.msk vm0, v44;
	vm0 =	vlt.u32 v50, $0x8280;
	v30 =	vbroadcast v63, $0x0;
	v32 =	vbroadcast v17, $0x0;
	v17 =	vld.idx.msk [tilespmem:v49+s5+$0x0], $0xffff  }
.LBB2_11:
0x1c8: {  	v33 =	vld [tilespmem:s24+$0x70];
	s16 =	sadd.s32 $0x10, s16;
	v34 =	vor.u32 v0, v25;
	v35 =	vor.u32 v2, v25;
	vm8 =	vlt.u32 v24, $0x8280  }
0x1c9: {  	v36 =	vor.u32 v3, v25;
	v37 =	vor.u32 v4, v25;
	v38 =	vor.u32 v5, v25;
	v24 =	vld [tilespmem:s24+$0xFFFFFF80];
	p1 =	slt.u32 s16, $0x3F0  }
0x1ca: {  	v40 =	vor.u32 v6, v25;
	v41 =	vor.u32 v7, v25;
	v25 =	vor.u32 v8, v25;
	v39 =	vld [tilespmem:s24+$0xFFFFFF90]  }
0x1cb: {  	v27 =	vor.u32 v0, v27;
	v26 =	vor.u32 v2, v26;
	v29 =	vor.u32 v3, v29;
	v42 =	vld [tilespmem:s24+$0xFFFFFFA0]  }
0x1cc: {  	v28 =	vor.u32 v4, v28;
	v31 =	vor.u32 v5, v31;
	v30 =	vor.u32 v6, v30;
	v43 =	vld [tilespmem:s24+$0xFFFFFFB0]  }
0x1cd: {  	v32 =	vor.u32 v7, v32;
	v44 =	vld [tilespmem:s24+$0xFFFFFFC0];
	v33 =	vadd.s32 $0xFFFF7D80, v33;
	[tilespmem:v34+s26+$0x0] =	vst.idx.msk vm7, v11  }
0x1ce: {  	s3 =	sadd.s32 $0x100, s3;
	v34 =	vadd.s32 $0xFFFF7D80, v24;
	v11 =	vld [tilespmem:s24+$0xFFFFFFD0];
	v24 =	vmin.u32 v33, $0x827F;
	[tilespmem:v35+s26+$0x0] =	vst.idx.msk vm9, v15  }
0x1cf: {  	s0 =	sadd.s32 $0xFFFFFF90, s3;
	s4 =	sadd.s32 $0xFFFFFFA0, s3;
	s6 =	sadd.s32 $0xFFFFFFB0, s3;
	v45 =	vmov s3;
	v15 =	vmin.u32 v34, $0x827F;
	v35 =	vadd.s32 $0xFFFF7D80, v39;
	v39 =	vld [tilespmem:s24+$0xFFFFFFE0];
	[tilespmem:v36+s26+$0x0] =	vst.idx.msk vm14, v13  }
0x1d0: {  	s7 =	sadd.s32 $0xFFFFFFC0, s3;
	s8 =	sadd.s32 $0xFFFFFFD0, s3;
	s10 =	sadd.s32 $0xFFFFFFE0, s3;
	v45 =	vshrl.u32 v45, $0x7;
	v13 =	vmin.u32 v35, $0x827F;
	v36 =	vadd.s32 $0xFFFF7D80, v42;
	v42 =	vld [tilespmem:s24+$0xFFFFFFF0];
	[tilespmem:v37+s26+$0x0] =	vst.idx.msk vm13, v9  }
0x1d1: {  	s13 =	sadd.s32 $0xFFFFFF10, s3;
	s14 =	sadd.s32 $0xFFFFFFF0, s3;
	v45 =	vshll.u32 v45, v1;
	v9 =	vmin.u32 v36, $0x827F;
	v37 =	vadd.s32 $0xFFFF7D80, v43;
	v43 =	vld [tilespmem:s24+$0x0];
	[tilespmem:v38+s26+$0x0] =	vst.idx.msk vm12, v10  }
0x1d2: {  	v45 =	vbroadcast v45, $0x0;
	v10 =	vmin.u32 v37, $0x827F;
	v38 =	vadd.s32 $0xFFFF7D80, v44;
	v44 =	vld [tilespmem:s24+$0x10];
	[tilespmem:v40+s26+$0x0] =	vst.idx.msk vm11, v12  }
0x1d3: {  	vm7 =	vlt.u32 v33, $0x8280;
	v12 =	vmin.u32 v38, $0x827F;
	v40 =	vadd.s32 $0xFFFF7D80, v11;
	v24 =	vld.idx.msk [tilespmem:v24+s5+$0x0], $0xffff;
	[tilespmem:v41+s26+$0x0] =	vst.idx.msk vm10, v14  }
0x1d4: {  	v41 =	vor.u32 v8, v45;
	v14 =	vmin.u32 v40, $0x827F;
	v33 =	vadd.s32 $0xFFFF7D80, v39;
	v39 =	vld [tilespmem:s24+$0x20];
	[tilespmem:v25+s26+$0x0] =	vst.idx.msk vm6, v18  }
0x1d5: {  	v18 =	vmov s13;
	v25 =	vmin.u32 v33, $0x827F;
	v42 =	vadd.s32 $0xFFFF7D80, v42;
	v45 =	vld [tilespmem:s24+$0x30];
	[tilespmem:v27+s26+$0x0] =	vst.idx.msk vm5, v16  }
0x1d6: {  	v27 =	vmov s0;
	v16 =	vmin.u32 v42, $0x827F;
	v43 =	vadd.s32 $0xFFFF7D80, v43;
	v46 =	vld [tilespmem:s24+$0x40];
	[tilespmem:v26+s26+$0x0] =	vst.idx.msk vm4, v19  }
0x1d7: {  	v26 =	vmov s4;
	v19 =	vmin.u32 v43, $0x827F;
	v44 =	vadd.s32 $0xFFFF7D80, v44;
	v47 =	vld [tilespmem:s24+$0x50];
	[tilespmem:v29+s26+$0x0] =	vst.idx.msk vm3, v21  }
0x1d8: {  	v48 =	vmov s7;
	v29 =	vmov s6;
	v21 =	vmin.u32 v44, $0x827F;
	v49 =	vld [tilespmem:s24+$0x60];
	[tilespmem:v28+s26+$0x0] =	vst.idx.msk vm2, v22  }
0x1d9: {  	v22 =	vmov s8;
	v28 =	vmov s10;
	v11 =	vld.idx.msk [tilespmem:v15+s5+$0x0], $0xffff;
	v39 =	vadd.s32 $0xFFFF7D80, v39;
	[tilespmem:v41+s26+$0x0] =	vst.idx.msk vm7, v24  }
0x1da: {  	v50 =	vmov s14;
	v15 =	vld.idx.msk [tilespmem:v13+s5+$0x0], $0xffff;
	v41 =	vmin.u32 v39, $0x827F;
	v45 =	vadd.s32 $0xFFFF7D80, v45;
	[tilespmem:v31+s26+$0x0] =	vst.idx.msk vm1, v17  }
0x1db: {  	v17 =	vshrl.u32 v18, $0x7;
	v13 =	vld.idx.msk [tilespmem:v9+s5+$0x0], $0xffff;
	v31 =	vmin.u32 v45, $0x827F;
	v46 =	vadd.s32 $0xFFFF7D80, v46;
	[tilespmem:v30+s26+$0x0] =	vst.idx.msk vm0, v20  }
0x1dc: {  	v20 =	vshrl.u32 v27, $0x7;
	v9 =	vld.idx.msk [tilespmem:v10+s5+$0x0], $0xffff;
	v30 =	vmin.u32 v46, $0x827F;
	v47 =	vadd.s32 $0xFFFF7D80, v47;
	[tilespmem:v32+s26+$0x0] =	vst.idx.msk vm8, v23  }
0x1dd: {  	v23 =	vshrl.u32 v26, $0x7;
	v10 =	vld.idx.msk [tilespmem:v12+s5+$0x0], $0xffff;
	v32 =	vmin.u32 v47, $0x827F;
	v24 =	vadd.s32 $0xFFFF7D80, v49  }
0x1de: {  	v27 =	vshrl.u32 v48, $0x7;
	v26 =	vshrl.u32 v29, $0x7;
	v12 =	vld.idx.msk [tilespmem:v14+s5+$0x0], $0xffff;
	v48 =	vmin.u32 v24, $0x827F  }
0x1df: {  	v22 =	vshrl.u32 v22, $0x7;
	v28 =	vshrl.u32 v28, $0x7;
	v29 =	vshrl.u32 v50, $0x7;
	v14 =	vld.idx.msk [tilespmem:v25+s5+$0x0], $0xffff  }
0x1e0: {  	v17 =	vshll.u32 v17, v1;
	v20 =	vshll.u32 v20, v1;
	v23 =	vshll.u32 v23, v1;
	v18 =	vld.idx.msk [tilespmem:v16+s5+$0x0], $0xffff  }
0x1e1: {  	v51 =	vshll.u32 v22, v1;
	v50 =	vshll.u32 v27, v1;
	v49 =	vshll.u32 v26, v1;
	v16 =	vld.idx.msk [tilespmem:v19+s5+$0x0], $0xffff  }
0x1e2: {  	v52 =	vshll.u32 v28, v1;
	v53 =	vshll.u32 v29, v1;
	v25 =	vbroadcast v17, $0x0;
	v19 =	vld.idx.msk [tilespmem:v21+s5+$0x0], $0xffff  }
0x1e3: {  	vm7 =	vlt.u32 v34, $0x8280;
	v27 =	vbroadcast v20, $0x0;
	v26 =	vbroadcast v23, $0x0;
	v21 =	vld.idx.msk [tilespmem:v41+s5+$0x0], $0xffff  }
0x1e4: {  	vm9 =	vlt.u32 v35, $0x8280;
	v28 =	vbroadcast v50, $0x0;
	v29 =	vbroadcast v49, $0x0;
	v22 =	vld.idx.msk [tilespmem:v31+s5+$0x0], $0xffff  }
.Ltmp4:
0x1e5: {  	vm14 =	vlt.u32 v36, $0x8280;
	v31 =	vbroadcast v51, $0x0;
	v17 =	vld.idx.msk [tilespmem:v30+s5+$0x0], $0xffff;
	v30 =	vbroadcast v52, $0x0;
	(pc) =	sbr.rel @p1 .LBB2_11-.Ltmp4, $4  }
0x1e6: {  	vm13 =	vlt.u32 v37, $0x8280;
	vm12 =	vlt.u32 v38, $0x8280;
	v20 =	vld.idx.msk [tilespmem:v32+s5+$0x0], $0xffff;
	v32 =	vbroadcast v53, $0x0  }
0x1e7: {  	vm11 =	vlt.u32 v40, $0x8280;
	vm10 =	vlt.u32 v33, $0x8280;
	vm6 =	vlt.u32 v42, $0x8280;
	v23 =	vld.idx.msk [tilespmem:v48+s5+$0x0], $0xffff  }
0x1e8: {  	vm5 =	vlt.u32 v43, $0x8280;
	vm4 =	vlt.u32 v44, $0x8280;
	vm3 =	vlt.u32 v39, $0x8280  }
0x1e9: {  	s24 =	sadd.s32 $0x100, s24;
	vm2 =	vlt.u32 v45, $0x8280;
	vm1 =	vlt.u32 v46, $0x8280;
	vm0 =	vlt.u32 v47, $0x8280  }
0x1ea: {  	v33 =	vor.u32 v0, v25  }
0x1eb: {  	v34 =	vor.u32 v2, v25  }
0x1ec: {  	v35 =	vor.u32 v3, v25  }
0x1ed: {  	v36 =	vor.u32 v4, v25  }
0x1ee: {  	v37 =	vor.u32 v5, v25  }
0x1ef: {  	v38 =	vor.u32 v6, v25;
	[tilespmem:v33+s26+$0x0] =	vst.idx.msk vm7, v11  }
0x1f0: {  	v11 =	vor.u32 v7, v25;
	[tilespmem:v34+s26+$0x0] =	vst.idx.msk vm9, v15  }
0x1f1: {  	v15 =	vor.u32 v8, v25;
	[tilespmem:v35+s26+$0x0] =	vst.idx.msk vm14, v13  }
0x1f2: {  	v13 =	vor.u32 v0, v27;
	[tilespmem:v36+s26+$0x0] =	vst.idx.msk vm13, v9  }
0x1f3: {  	v9 =	vor.u32 v2, v26;
	[tilespmem:v37+s26+$0x0] =	vst.idx.msk vm12, v10  }
0x1f4: {  	v10 =	vor.u32 v3, v29;
	[tilespmem:v38+s26+$0x0] =	vst.idx.msk vm11, v12  }
0x1f5: {  	v12 =	vor.u32 v4, v28;
	[tilespmem:v11+s26+$0x0] =	vst.idx.msk vm10, v14  }
0x1f6: {  	v11 =	vor.u32 v5, v31;
	[tilespmem:v15+s26+$0x0] =	vst.idx.msk vm6, v18  }
0x1f7: {  	vm6 =	vlt.u32 v24, $0x8280;
	v14 =	vor.u32 v6, v30;
	[tilespmem:v13+s26+$0x0] =	vst.idx.msk vm5, v16  }
0x1f8: {  	v13 =	vor.u32 v7, v32;
	[tilespmem:v9+s26+$0x0] =	vst.idx.msk vm4, v19  }
0x1f9: {  	s12 =	smul.u32 @!p0 $0x30E000, s12;
	[tilespmem:v10+s26+$0x0] =	vst.idx.msk vm3, v21  }
0x1fa: {  	[tilespmem:v12+s26+$0x0] =	vst.idx.msk vm2, v22  }
0x1fb: {  	s0 =	sadd.s32 @!p0 s15, s12;
	[tilespmem:v11+s26+$0x0] =	vst.idx.msk vm1, v17  }
0x1fc: {  	s3 =	simm.s32 @!p0 $0x80;
	s0 =	sshrl.u32 @!p0 s0, $0x3;
	[tilespmem:v14+s26+$0x0] =	vst.idx.msk vm0, v20  }
0x1fd: {  	s4 =	simm.s32 @!p0 $0x400;
	s6 =	simm.s32 @!p0 $0x0;
	s0 =	sadd.s32 @!p0 s1, s0;
	[tilespmem:v13+s26+$0x0] =	vst.idx.msk vm6, v23  }
0x1fe: {  	[tilespmem:s6], [sflag:$0x1] =	stream.strided.gather @!p0 [hbm4b:s0+s3], $0x8280, s4, s3, $0x38;
	[tilespmem:$0x1C500] =	vst v63  }
0x1ff: {  	_ =	swait.ge [sflag:s29], $0x8180  }
0x200: {  	[sflag:s29] =	ssyncset.done $0x0  }
0x201: {  	[sflag:s29] =	ssyncadd.s32 $0xFFFF7E80  }
0x202: {  	_ =	swait.ge [sflag:s29], $0x80  }
0x203: {  	[sflag:s29] =	ssyncset.done $0x0  }
0x204: {  	s0 =	simm.s32 $0x14580;
	[sflag:s29] =	ssyncadd.s32 $0xFFFFFF80  }
0x205: {  	v9 =	vld [tilespmem:s0+$0x70]  }
0x206: {  	v10 =	vld [tilespmem:s0+$0xFFFFFF80]  }
0x207: {  	v11 =	vld [tilespmem:s0+$0xFFFFFF90]  }
0x208: {  	s3 =	simm.s32 $0xF0;
	v12 =	vld [tilespmem:s0+$0xFFFFFFA0]  }
0x209: {  	v19 =	vmov s3;
	v13 =	vld [tilespmem:s0+$0xFFFFFFB0]  }
0x20a: {  	v19 =	vshrl.u32 v19, $0x7;
	v14 =	vld [tilespmem:s0+$0xFFFFFFC0]  }
0x20b: {  	v19 =	vshll.u32 v19, v1;
	v15 =	vld [tilespmem:s0+$0xFFFFFFD0]  }
0x20c: {  	s7 =	simm.s32 $0xB0;
	s24 =	simm.s32 $0xC0;
	v19 =	vbroadcast v19, $0x0;
	v29 =	vld [tilespmem:s0+$0x50]  }
0x20d: {  	s16 =	simm.s32 $0xA0;
	s8 =	simm.s32 $0xD0;
	v39 =	vmov s7;
	v42 =	vmov s24  }
0x20e: {  	v43 =	vmov s8;
	v31 =	vmov s16;
	v57 =	vor.u32 v8, v19  }
0x20f: {  	v9 =	vadd.s32 $0xFFFEFB00, v9;
	v10 =	vadd.s32 $0xFFFEFB00, v10;
	v18 =	vadd.s32 $0xFFFEFB00, v11  }
0x210: {  	s10 =	simm.s32 $0x0;
	v40 =	vld [tilespmem:s0+$0x60];
	v22 =	vadd.s32 $0xFFFEFB00, v12;
	v23 =	vadd.s32 $0xFFFEFB00, v13;
	v54 =	vadd.s32 $0xFFFEFB00, v14  }
0x211: {  	v11 =	vld [tilespmem:s0+$0xFFFFFFE0];
	v55 =	vadd.s32 $0xFFFEFB00, v15;
	v15 =	vmov s10;
	v50 =	vadd.s32 $0xFFFEFB00, v29  }
0x212: {  	v13 =	vld [tilespmem:s0+$0x0];
	v29 =	vshrl.u32 v31, $0x7;
	v31 =	vshrl.u32 v39, $0x7;
	v16 =	vmin.u32 v9, $0x819F  }
0x213: {  	v12 =	vld [tilespmem:s0+$0xFFFFFFF0];
	v17 =	vmin.u32 v10, $0x819F;
	v20 =	vmin.u32 v18, $0x819F;
	v21 =	vmin.u32 v22, $0x819F  }
0x214: {  	v24 =	vmin.u32 v23, $0x819F;
	v25 =	vmin.u32 v54, $0x819F;
	vm0 =	vlt.u32 v9, $0x81A0;
	v9 =	vld [tilespmem:s0+$0x20]  }
0x215: {  	v14 =	vld [tilespmem:s0+$0x10];
	v26 =	vmin.u32 v55, $0x819F;
	vm7 =	vlt.u32 v10, $0x81A0;
	v51 =	vmin.u32 v50, $0x819F  }
0x216: {  	vm9 =	vlt.u32 v18, $0x81A0;
	v18 =	vshrl.u32 v42, $0x7;
	v56 =	vadd.s32 $0xFFFEFB00, v11;
	v11 =	vld [tilespmem:s0+$0x30]  }
0x217: {  	v31 =	vshll.u32 v31, v1;
	vm14 =	vlt.u32 v22, $0x81A0;
	v59 =	vadd.s32 $0xFFFEFB00, v13;
	v13 =	vld [tilespmem:s0+$0x40]  }
0x218: {  	vm13 =	vlt.u32 v23, $0x81A0;
	vm12 =	vlt.u32 v54, $0x81A0;
	vm11 =	vlt.u32 v55, $0x81A0;
	v44 =	vld.idx.msk [tilespmem:v16+s22+$0x0], $0xffff  }
0x219: {  	s13 =	simm.s32 $0x80;
	v18 =	vshll.u32 v18, v1;
	v58 =	vadd.s32 $0xFFFEFB00, v12;
	v41 =	vadd.s32 $0xFFFEFB00, v9;
	v9 =	vld.idx.msk [tilespmem:v24+s22+$0x0], $0xffff  }
0x21a: {  	s14 =	simm.s32 $0x90;
	v12 =	vmov s13;
	v60 =	vadd.s32 $0xFFFEFB00, v14;
	v19 =	vmin.u32 v56, $0x819F;
	v10 =	vld.idx.msk [tilespmem:v25+s22+$0x0], $0xffff  }
0x21b: {  	v14 =	vmov s14;
	v27 =	vmin.u32 v58, $0x819F;
	v46 =	vadd.s32 $0xFFFEFB00, v11;
	v11 =	vld.idx.msk [tilespmem:v17+s22+$0x0], $0xffff  }
0x21c: {  	s28 =	simm.s32 $0xE0;
	v28 =	vmin.u32 v59, $0x819F;
	v30 =	vmin.u32 v60, $0x819F;
	v17 =	vshrl.u32 v15, $0x7;
	v15 =	vld.idx.msk [tilespmem:v20+s22+$0x0], $0xffff  }
0x21d: {  	v16 =	vmov s28;
	v24 =	vadd.s32 $0xFFFEFB00, v40;
	v48 =	vadd.s32 $0xFFFEFB00, v13;
	v13 =	vld.idx.msk [tilespmem:v21+s22+$0x0], $0xffff  }
0x21e: {  	vm10 =	vlt.u32 v56, $0x81A0;
	v45 =	vmin.u32 v41, $0x819F;
	v20 =	vshrl.u32 v12, $0x7;
	v12 =	vld.idx.msk [tilespmem:v26+s22+$0x0], $0xffff  }
0x21f: {  	vm6 =	vlt.u32 v58, $0x81A0;
	v61 =	vmin.u32 v24, $0x819F;
	v21 =	vshrl.u32 v14, $0x7;
	v14 =	vld.idx.msk [tilespmem:v19+s22+$0x0], $0xffff  }
0x220: {  	v62 =	vshrl.u32 v16, $0x7;
	v47 =	vmin.u32 v46, $0x819F;
	v16 =	vshll.u32 v17, v1;
	v17 =	vld.idx.msk [tilespmem:v27+s22+$0x0], $0xffff  }
0x221: {  	v49 =	vmin.u32 v48, $0x819F;
	v19 =	vshll.u32 v20, v1;
	v25 =	vbroadcast v16, $0x0;
	v16 =	vld.idx.msk [tilespmem:v28+s22+$0x0], $0xffff  }
0x222: {  	v20 =	vshll.u32 v21, v1;
	v21 =	vshll.u32 v29, v1;
	v27 =	vbroadcast v19, $0x0;
	v19 =	vld.idx.msk [tilespmem:v30+s22+$0x0], $0xffff  }
0x223: {  	vm5 =	vlt.u32 v59, $0x81A0;
	v26 =	vshrl.u32 v43, $0x7;
	v29 =	vbroadcast v21, $0x0;
	v21 =	vld.idx.msk [tilespmem:v45+s22+$0x0], $0xffff  }
0x224: {  	v63 =	vshll.u32 v26, v1;
	v26 =	vbroadcast v20, $0x0;
	v20 =	vshll.u32 v62, v1;
	v23 =	vld.idx.msk [tilespmem:v61+s22+$0x0], $0xffff  }
0x225: {  	vm4 =	vlt.u32 v60, $0x81A0;
	vm3 =	vlt.u32 v41, $0x81A0;
	v32 =	vbroadcast v20, $0x0;
	v20 =	vld.idx.msk [tilespmem:v51+s22+$0x0], $0xffff  }
0x226: {  	vm2 =	vlt.u32 v46, $0x81A0;
	vm1 =	vlt.u32 v48, $0x81A0;
	v28 =	vbroadcast v31, $0x0;
	v22 =	vld.idx.msk [tilespmem:v47+s22+$0x0], $0xffff  }
0x227: {  	s24 =	simm.s32 $0x14680;
	s16 =	simm.s32 $0x0;
	[tilespmem:v57+s26+$0x0] =	vst.idx.msk vm0, v44;
	vm0 =	vlt.u32 v50, $0x81A0;
	v31 =	vbroadcast v18, $0x0;
	v30 =	vbroadcast v63, $0x0;
	v18 =	vld.idx.msk [tilespmem:v49+s22+$0x0], $0xffff  }
.LBB2_13:
0x228: {  	v33 =	vld [tilespmem:s24+$0x70];
	s16 =	sadd.s32 $0x10, s16;
	v34 =	vor.u32 v0, v25;
	v35 =	vor.u32 v2, v25;
	vm8 =	vlt.u32 v24, $0x81A0  }
0x229: {  	v36 =	vor.u32 v3, v25;
	v37 =	vor.u32 v4, v25;
	v38 =	vor.u32 v5, v25;
	v24 =	vld [tilespmem:s24+$0xFFFFFF80];
	p1 =	slt.u32 s16, $0x3F0  }
0x22a: {  	v40 =	vor.u32 v6, v25;
	v41 =	vor.u32 v7, v25;
	v25 =	vor.u32 v8, v25;
	v39 =	vld [tilespmem:s24+$0xFFFFFF90]  }
0x22b: {  	v27 =	vor.u32 v0, v27;
	v26 =	vor.u32 v2, v26;
	v29 =	vor.u32 v3, v29;
	v42 =	vld [tilespmem:s24+$0xFFFFFFA0]  }
0x22c: {  	v28 =	vor.u32 v4, v28;
	v31 =	vor.u32 v5, v31;
	v30 =	vor.u32 v6, v30;
	v43 =	vld [tilespmem:s24+$0xFFFFFFB0]  }
0x22d: {  	v32 =	vor.u32 v7, v32;
	v44 =	vld [tilespmem:s24+$0xFFFFFFC0];
	v33 =	vadd.s32 $0xFFFEFB00, v33;
	[tilespmem:v34+s26+$0x0] =	vst.idx.msk vm7, v11  }
0x22e: {  	s3 =	sadd.s32 $0x100, s3;
	v34 =	vadd.s32 $0xFFFEFB00, v24;
	v11 =	vld [tilespmem:s24+$0xFFFFFFD0];
	v24 =	vmin.u32 v33, $0x819F;
	[tilespmem:v35+s26+$0x0] =	vst.idx.msk vm9, v15  }
0x22f: {  	s0 =	sadd.s32 $0xFFFFFF90, s3;
	s4 =	sadd.s32 $0xFFFFFFA0, s3;
	s6 =	sadd.s32 $0xFFFFFFB0, s3;
	v45 =	vmov s3;
	v15 =	vmin.u32 v34, $0x819F;
	v35 =	vadd.s32 $0xFFFEFB00, v39;
	v39 =	vld [tilespmem:s24+$0xFFFFFFE0];
	[tilespmem:v36+s26+$0x0] =	vst.idx.msk vm14, v13  }
0x230: {  	s7 =	sadd.s32 $0xFFFFFFC0, s3;
	s8 =	sadd.s32 $0xFFFFFFD0, s3;
	s10 =	sadd.s32 $0xFFFFFFE0, s3;
	v45 =	vshrl.u32 v45, $0x7;
	v13 =	vmin.u32 v35, $0x819F;
	v36 =	vadd.s32 $0xFFFEFB00, v42;
	v42 =	vld [tilespmem:s24+$0xFFFFFFF0];
	[tilespmem:v37+s26+$0x0] =	vst.idx.msk vm13, v9  }
0x231: {  	s13 =	sadd.s32 $0xFFFFFF10, s3;
	s14 =	sadd.s32 $0xFFFFFFF0, s3;
	v45 =	vshll.u32 v45, v1;
	v9 =	vmin.u32 v36, $0x819F;
	v37 =	vadd.s32 $0xFFFEFB00, v43;
	v43 =	vld [tilespmem:s24+$0x0];
	[tilespmem:v38+s26+$0x0] =	vst.idx.msk vm12, v10  }
0x232: {  	v45 =	vbroadcast v45, $0x0;
	v10 =	vmin.u32 v37, $0x819F;
	v38 =	vadd.s32 $0xFFFEFB00, v44;
	v44 =	vld [tilespmem:s24+$0x10];
	[tilespmem:v40+s26+$0x0] =	vst.idx.msk vm11, v12  }
0x233: {  	vm7 =	vlt.u32 v33, $0x81A0;
	v12 =	vmin.u32 v38, $0x819F;
	v40 =	vadd.s32 $0xFFFEFB00, v11;
	v24 =	vld.idx.msk [tilespmem:v24+s22+$0x0], $0xffff;
	[tilespmem:v41+s26+$0x0] =	vst.idx.msk vm10, v14  }
0x234: {  	v41 =	vor.u32 v8, v45;
	v14 =	vmin.u32 v40, $0x819F;
	v33 =	vadd.s32 $0xFFFEFB00, v39;
	v39 =	vld [tilespmem:s24+$0x20];
	[tilespmem:v25+s26+$0x0] =	vst.idx.msk vm6, v17  }
0x235: {  	v17 =	vmov s13;
	v25 =	vmin.u32 v33, $0x819F;
	v42 =	vadd.s32 $0xFFFEFB00, v42;
	v45 =	vld [tilespmem:s24+$0x30];
	[tilespmem:v27+s26+$0x0] =	vst.idx.msk vm5, v16  }
0x236: {  	v27 =	vmov s0;
	v16 =	vmin.u32 v42, $0x819F;
	v43 =	vadd.s32 $0xFFFEFB00, v43;
	v46 =	vld [tilespmem:s24+$0x40];
	[tilespmem:v26+s26+$0x0] =	vst.idx.msk vm4, v19  }
0x237: {  	v26 =	vmov s4;
	v19 =	vmin.u32 v43, $0x819F;
	v44 =	vadd.s32 $0xFFFEFB00, v44;
	v47 =	vld [tilespmem:s24+$0x50];
	[tilespmem:v29+s26+$0x0] =	vst.idx.msk vm3, v21  }
0x238: {  	v48 =	vmov s7;
	v29 =	vmov s6;
	v21 =	vmin.u32 v44, $0x819F;
	v49 =	vld [tilespmem:s24+$0x60];
	[tilespmem:v28+s26+$0x0] =	vst.idx.msk vm2, v22  }
0x239: {  	v22 =	vmov s8;
	v28 =	vmov s10;
	v11 =	vld.idx.msk [tilespmem:v15+s22+$0x0], $0xffff;
	v39 =	vadd.s32 $0xFFFEFB00, v39;
	[tilespmem:v41+s26+$0x0] =	vst.idx.msk vm7, v24  }
0x23a: {  	v50 =	vmov s14;
	v15 =	vld.idx.msk [tilespmem:v13+s22+$0x0], $0xffff;
	v41 =	vmin.u32 v39, $0x819F;
	v45 =	vadd.s32 $0xFFFEFB00, v45;
	[tilespmem:v31+s26+$0x0] =	vst.idx.msk vm1, v18  }
0x23b: {  	v17 =	vshrl.u32 v17, $0x7;
	v13 =	vld.idx.msk [tilespmem:v9+s22+$0x0], $0xffff;
	v18 =	vmin.u32 v45, $0x819F;
	v46 =	vadd.s32 $0xFFFEFB00, v46;
	[tilespmem:v30+s26+$0x0] =	vst.idx.msk vm0, v20  }
0x23c: {  	v20 =	vshrl.u32 v27, $0x7;
	v9 =	vld.idx.msk [tilespmem:v10+s22+$0x0], $0xffff;
	v30 =	vmin.u32 v46, $0x819F;
	v47 =	vadd.s32 $0xFFFEFB00, v47;
	[tilespmem:v32+s26+$0x0] =	vst.idx.msk vm8, v23  }
0x23d: {  	v23 =	vshrl.u32 v26, $0x7;
	v10 =	vld.idx.msk [tilespmem:v12+s22+$0x0], $0xffff;
	v32 =	vmin.u32 v47, $0x819F;
	v24 =	vadd.s32 $0xFFFEFB00, v49  }
0x23e: {  	v27 =	vshrl.u32 v48, $0x7;
	v26 =	vshrl.u32 v29, $0x7;
	v12 =	vld.idx.msk [tilespmem:v14+s22+$0x0], $0xffff;
	v48 =	vmin.u32 v24, $0x819F  }
0x23f: {  	v22 =	vshrl.u32 v22, $0x7;
	v28 =	vshrl.u32 v28, $0x7;
	v29 =	vshrl.u32 v50, $0x7;
	v14 =	vld.idx.msk [tilespmem:v25+s22+$0x0], $0xffff  }
0x240: {  	v20 =	vshll.u32 v20, v1;
	v23 =	vshll.u32 v23, v1;
	v25 =	vshll.u32 v17, v1;
	v17 =	vld.idx.msk [tilespmem:v16+s22+$0x0], $0xffff  }
0x241: {  	v50 =	vshll.u32 v22, v1;
	v31 =	vshll.u32 v26, v1;
	v49 =	vshll.u32 v27, v1;
	v16 =	vld.idx.msk [tilespmem:v19+s22+$0x0], $0xffff  }
0x242: {  	v51 =	vshll.u32 v28, v1;
	v52 =	vshll.u32 v29, v1;
	v25 =	vbroadcast v25, $0x0;
	v19 =	vld.idx.msk [tilespmem:v21+s22+$0x0], $0xffff  }
0x243: {  	vm7 =	vlt.u32 v34, $0x81A0;
	v27 =	vbroadcast v20, $0x0;
	v26 =	vbroadcast v23, $0x0;
	v21 =	vld.idx.msk [tilespmem:v41+s22+$0x0], $0xffff  }
0x244: {  	vm9 =	vlt.u32 v35, $0x81A0;
	v29 =	vbroadcast v31, $0x0;
	v28 =	vbroadcast v49, $0x0;
	v22 =	vld.idx.msk [tilespmem:v18+s22+$0x0], $0xffff  }
.Ltmp5:
0x245: {  	vm14 =	vlt.u32 v36, $0x81A0;
	v31 =	vbroadcast v50, $0x0;
	v18 =	vld.idx.msk [tilespmem:v30+s22+$0x0], $0xffff;
	v30 =	vbroadcast v51, $0x0;
	(pc) =	sbr.rel @p1 .LBB2_13-.Ltmp5, $4  }
0x246: {  	vm13 =	vlt.u32 v37, $0x81A0;
	vm12 =	vlt.u32 v38, $0x81A0;
	v20 =	vld.idx.msk [tilespmem:v32+s22+$0x0], $0xffff;
	v32 =	vbroadcast v52, $0x0  }
0x247: {  	vm11 =	vlt.u32 v40, $0x81A0;
	vm10 =	vlt.u32 v33, $0x81A0;
	vm6 =	vlt.u32 v42, $0x81A0;
	v23 =	vld.idx.msk [tilespmem:v48+s22+$0x0], $0xffff  }
0x248: {  	vm5 =	vlt.u32 v43, $0x81A0;
	vm4 =	vlt.u32 v44, $0x81A0;
	vm3 =	vlt.u32 v39, $0x81A0  }
0x249: {  	s24 =	sadd.s32 $0x100, s24;
	vm2 =	vlt.u32 v45, $0x81A0;
	vm1 =	vlt.u32 v46, $0x81A0;
	vm0 =	vlt.u32 v47, $0x81A0  }
0x24a: {  	v33 =	vor.u32 v0, v25  }
0x24b: {  	v34 =	vor.u32 v2, v25  }
0x24c: {  	v35 =	vor.u32 v3, v25  }
0x24d: {  	v36 =	vor.u32 v4, v25  }
0x24e: {  	v37 =	vor.u32 v5, v25  }
0x24f: {  	v38 =	vor.u32 v6, v25;
	[tilespmem:v33+s26+$0x0] =	vst.idx.msk vm7, v11  }
0x250: {  	v59 =	vor.u32 v8, v25;
	[tilespmem:v34+s26+$0x0] =	vst.idx.msk vm9, v15  }
0x251: {  	v60 =	vor.u32 v0, v27;
	[tilespmem:v35+s26+$0x0] =	vst.idx.msk vm14, v13  }
0x252: {  	v61 =	vor.u32 v4, v28;
	[tilespmem:v36+s26+$0x0] =	vst.idx.msk vm13, v9  }
0x253: {  	v11 =	vor.u32 v7, v25;
	[tilespmem:v37+s26+$0x0] =	vst.idx.msk vm12, v10  }
0x254: {  	v9 =	vor.u32 v2, v26;
	[tilespmem:v38+s26+$0x0] =	vst.idx.msk vm11, v12  }
0x255: {  	v10 =	vor.u32 v3, v29;
	[tilespmem:v59+s26+$0x0] =	vst.idx.msk vm6, v17  }
0x256: {  	[tilespmem:v60+s26+$0x0] =	vst.idx.msk vm5, v16  }
0x257: {  	vm15 =	vlt.u32 v24, $0x81A0;
	v62 =	vor.u32 v6, v30;
	[tilespmem:v61+s26+$0x0] =	vst.idx.msk vm2, v22  }
0x258: {  	v63 =	vor.u32 v7, v32;
	[tilespmem:v11+s26+$0x0] =	vst.idx.msk vm10, v14  }
0x259: {  	v11 =	vor.u32 v5, v31;
	[tilespmem:v9+s26+$0x0] =	vst.idx.msk vm4, v19  }
0x25a: {  	[tilespmem:v10+s26+$0x0] =	vst.idx.msk vm3, v21  }
0x25b: {  	s0 =	rddreg [dreg:$0x6]  }
0x25c: {  	[tilespmem:v62+s26+$0x0] =	vst.idx.msk vm0, v20;
	s0 =	sadd.s32 @!p0 s12, s0  }
0x25d: {  	s3 =	simm.s32 @!p0 $0x80;
	s4 =	simm.s32 @!p0 $0x400;
	[tilespmem:v63+s26+$0x0] =	vst.idx.msk vm15, v23;
	s0 =	sshrl.u32 @!p0 s0, $0x3  }
0x25e: {  	s6 =	simm.s32 @!p0 $0x8280;
	s21 =	sadd.s32 $0x1, s21;
	s0 =	sadd.s32 @!p0 s1, s0;
	[tilespmem:v11+s26+$0x0] =	vst.idx.msk vm1, v18  }
0x25f: {  	[tilespmem:s6], [sflag:$0x2] =	stream.strided.gather @!p0 [hbm4b:s0+s3], $0x8280, s4, s3, $0x38;
	[tilespmem:$0x1C500] =	vst v63  }
0x260: {  	p0 =	sne.s32 s21, $0xD  }
.Ltmp6:
0x261: {  	s24 =	sshll.u32 s11, $0x13;
	(pc) =	sbr.rel @p0 .LBB2_2-.Ltmp6, $4  }
0x262: {  	s0 =	sor.u32 s18, s24  }
0x263: {  	s28 =	rddreg [dreg:$0x3];
	s0 =	sshrl.u32 s0, $0x3  }
0x264: {  	s0 =	sadd.s32 s28, s0  }
0x265: {  	[hbm4b:s0+s19] =	stream.strided.scatter [tilespmem:s26], [sflag:$0x5], $0x4000, s20, s19, $0x38;
	[tilespmem:$0x1C500] =	vst v63  }
0x266: {  	_ =	swait.ge [sflag:s31], $0x4000  }
0x267: {  	s3 =	rddreg [dreg:$0xd]  }
0x268: {  	s0 =	rddreg [dreg:$0xc];
	s3 =	sadd.s32 $0x1, s3  }
0x269: {  	p0 =	sne.s32 s3, s0  }
.Ltmp7:
0x26a: {  	_ = 	snop;
	(pc) =	sbr.rel @p0 .LBB2_1-.Ltmp7, $3  }
0x26b: {  	_ =	sdelay $0x1  }
0x26c: {  	[sflag:s31] =	ssyncset.done $0x0  }
0x26d: {  	[sflag:s31] =	ssyncadd.s32 $0xFFFFC000  }
0x26e: {  	_ =	sfence.sel $0x180000  }
0x26f: {  	[bflag:$0x0] =	sbarrier.arrive $0xFFFF  }
0x270: {  	_ =	strace $0x90000047  }
0x271: {  	s0 =	stileid.u32;
	[bflag:$0x2] =	sbarrier.arrive $0xFFFF  }
0x272: {  	p0 =	sne.s32 s0, $0x0;
	s0 =	rddreg [dreg:$0x4]  }
0x273: {  	s0 =	sadd.s32 @!p0 $0x100000, s0  }
0x274: {  	[sflag:s0] =	ssyncadd.tile.s32 @!p0 $0x1;
	_ =	shalt  }
.Lfunc_end2:
_tile_overlayer_lowered:
.L_overlay_start_2:
0x275: {  	(tag) =	ssettag $0x2  }
0x276: {  	s0 =	rddreg [dreg:$0x0];
	s2 =	stileid.u32  }
0x277: {  	s1 =	rddreg [dreg:$0x1];
	p0 =	sne.s32 s2, $0x0  }
0x278: {  	s3 =	rddreg [dreg:$0x2];
	[bflag:$0x3] =	sbarrier.arrive $0xFFFF;
	s2 =	simm.s32 @!p0 $0x1C06  }
0x279: {  	[timem:s3], [sflag:s2] =	dma.local @!p0 [hbm:s0], s1  }
0x27a: {  	s0 =	simm.s32 @!p0 $0x6  }
0x27b: {  	_ =	swait.ge @!p0 [sflag:s0], s1  }
0x27c: {  	s1 =	ssub.s32 @!p0 $0x0, s1;
	[sflag:s0] =	ssyncset.done @!p0 $0x0  }
0x27d: {  	[sflag:s0] =	ssyncadd.s32 @!p0 s1  }
0x27e: {  	[bflag:$0x3] =	sbarrier.arrive $0xFFFF  }
0x27f: {  	_ =	shalt  }

</sc_bundles>
